<compile_context>
chip_gen: v7x
topology: tpu7x:2x2x1
jax: 0.10.2.dev20260603
libtpu: 0.0.44.dev20260713+nightly
codegen_flags: <defaults>
</compile_context>

<pallas_src>
import functools

import jax
import jax.numpy as jnp
from jax import lax
from jax.experimental import pallas as pl
from jax.experimental.pallas import tpu as pltpu
from jax.experimental.pallas import tpu_sc as plsc

B = 16
NV, NVP, EV = 500, 512, 8000
NE, NEP, EE = 1000, 1024, 16000
EVP, EEP = 8192, 16384
NC, NS = 2, 16
NW = NC * NS
RV = NVP // NW
RE = NEP // NW
_SENT = 1 << 20

_HI = lax.Precision.HIGHEST


def _dot(a, b):
  return jnp.dot(a, b, precision=_HI, preferred_element_type=jnp.float32)


def _split(x):
  hi = x.astype(jnp.bfloat16)
  lo = (x - hi.astype(jnp.float32)).astype(jnp.bfloat16)
  return hi, lo


def _dotb(a, b):
  return jnp.dot(a, b, preferred_element_type=jnp.float32)


def _sc_zero(slab, nwords):
  def body(i, _):
    slab[pl.ds(i * 16, 16)] = jnp.zeros((16,), jnp.float32)
    return 0
  lax.fori_loop(0, nwords // 16, body, 0, unroll=8)


def _sc_stage(src_h, sh, tmp_v, sid, ch):
  pltpu.sync_copy(src_h.at[pl.ds(sid * ch, ch)], tmp_v.at[pl.ds(0, ch)])
  pltpu.sync_copy(tmp_v.at[pl.ds(0, ch)], sh.at[pl.ds(sid * ch, ch)])


def _sc_graph(sh_row, sh_col, out_h, row_v, col_v, slab, wid, e, npad, r):
  base = wid * r
  pltpu.sync_copy(sh_row, row_v)
  pltpu.sync_copy(sh_col, col_v)
  _sc_zero(slab, r * npad)
  lanes = lax.iota(jnp.int32, 16)
  for j16 in range(r // 16):
    didx = (j16 * 16 + lanes) * (npad + 1) + base
    plsc.store_scatter(slab, [didx], jnp.ones((16,), jnp.float32))
  ones = jnp.ones((16,), jnp.float32)

  def body(i, _):
    rr = row_v[pl.ds(i * 16, 16)]
    cc = col_v[pl.ds(i * 16, 16)]
    local = cc - base
    m = (local >= 0) & (local < r)
    idx = jnp.where(m, local * npad + rr, 0)
    plsc.addupdate_scatter(slab, [idx], ones, mask=m)
    return 0

  lax.fori_loop(0, e // 16, body, 0, unroll=4)
  pltpu.sync_copy(slab, out_h.at[pl.ds(base * npad, r * npad)])


def _sc_build_m(vrow, vcol, erow, ecol):
  mesh = plsc.VectorSubcoreMesh(core_axis_name="c", subcore_axis_name="s")

  @functools.partial(
      pl.kernel,
      out_type=[
          jax.ShapeDtypeStruct((NVP * NVP,), jnp.float32),
          jax.ShapeDtypeStruct((NEP * NEP,), jnp.float32),
      ],
      mesh=mesh,
      scratch_types=[
          pltpu.VMEM((EVP,), jnp.int32),
          pltpu.VMEM((EVP,), jnp.int32),
          pltpu.VMEM((EEP,), jnp.int32),
          pltpu.VMEM((EEP,), jnp.int32),
          pltpu.VMEM((RV * NVP,), jnp.float32),
          pltpu.VMEM((RE * NEP,), jnp.float32),
          pltpu.VMEM_SHARED((EVP,), jnp.int32),
          pltpu.VMEM_SHARED((EVP,), jnp.int32),
          pltpu.VMEM_SHARED((EEP,), jnp.int32),
          pltpu.VMEM_SHARED((EEP,), jnp.int32),
      ],
      compiler_params=pltpu.CompilerParams(needs_layout_passes=False),
  )
  def k(vrow_h, vcol_h, erow_h, ecol_h, mv_h, me_h,
        vrow_v, vcol_v, erow_v, ecol_v, slab_v, slab_e,
        sh_vrow, sh_vcol, sh_erow, sh_ecol):
    sid = lax.axis_index("s")
    wid = sid * NC + lax.axis_index("c")
    _sc_stage(vrow_h, sh_vrow, vrow_v, sid, EVP // NS)
    _sc_stage(vcol_h, sh_vcol, vcol_v, sid, EVP // NS)
    _sc_stage(erow_h, sh_erow, erow_v, sid, EEP // NS)
    _sc_stage(ecol_h, sh_ecol, ecol_v, sid, EEP // NS)
    plsc.subcore_barrier()
    _sc_graph(sh_vrow, sh_vcol, mv_h, vrow_v, vcol_v, slab_v, wid, EVP, NVP, RV)
    _sc_graph(sh_erow, sh_ecol, me_h, erow_v, ecol_v, slab_e, wid, EEP, NEP, RE)

  return k(vrow, vcol, erow, ecol)


def _gcn_stack(m_ref, x_ref, h_ref, n, npad, w_refs, b_refs):
  ones_col = jnp.ones((npad, 1), jnp.bfloat16)
  deg = _dotb(m_ref[...], ones_col)
  dinv = lax.rsqrt(deg)
  rmask = (lax.broadcasted_iota(jnp.int32, (npad, 1), 0) < n)
  dinv_m = jnp.where(rmask, dinv, 0.0)
  dm_hi, dm_lo = _split(dinv_m)

  def dgt(a):
    return lax.dot_general(a, m_ref[...],
                           dimension_numbers=(((0,), (0,)), ((), ())),
                           preferred_element_type=jnp.float32)

  w_row = dgt(dm_hi) + dgt(dm_lo)

  cin0 = x_ref.shape[1]
  dinv_big = jnp.concatenate([dinv] * B, axis=0)
  h_ref[pl.ds(0, B * npad), :cin0] = (x_ref[...] * dinv_big).astype(jnp.bfloat16)

  def dotbf(a, b):
    return jnp.dot(a, b, preferred_element_type=jnp.float32).astype(jnp.bfloat16)

  for l in range(3):
    w = w_refs[l][...]
    bias = b_refs[l][...]
    cin = w_refs[l].shape[0]
    cout = w_refs[l].shape[1]

    def body(b, _, w=w, bias=bias, cin=cin, cout=cout, l=l):
      rows = pl.ds(b * npad, npad)
      tb = dotbf(h_ref[rows, :cin], w)
      ub = _dotb(m_ref[...], tb)
      gb = ub * dinv + bias
      lk = jnp.where(gb >= 0, gb, 0.1 * gb)
      h_ref[rows, :cout] = (lk * dinv).astype(jnp.bfloat16)
      return 0

    lax.fori_loop(0, B, body, 0)

  w4 = w_refs[3][...]
  b4 = b_refs[3][...]
  cin = w_refs[3].shape[0]
  inv_n = 1.0 / n
  wr_hi, wr_lo = _split(w_row)
  embs = []
  for b in range(B):
    rows = pl.ds(b * npad, npad)
    tb = dotbf(h_ref[rows, :cin], w4)
    e = _dotb(wr_hi, tb) + _dotb(wr_lo, tb)
    embs.append(e * inv_n + b4)
  return jnp.concatenate(embs, axis=0)


def _tc_body(mv_ref, me_ref, xv_ref, xe_ref, nde_ref, mask_ref,
             vw1, vb1, vw2, vb2, vw3, vb3, vw4, vb4,
             ew1, eb1, ew2, eb2, ew3, eb3, ew4, eb4,
             mw1, mb1, mw2, mb2, mw3, mb3, mw4, mb4,
             ff_ref, out_ref, h_ref):
  emb_v = _gcn_stack(mv_ref, xv_ref, h_ref, NV, NVP,
                     (vw1, vw2, vw3, vw4), (vb1, vb2, vb3, vb4))
  emb_e = _gcn_stack(me_ref, xe_ref, h_ref, NE, NEP,
                     (ew1, ew2, ew3, ew4), (eb1, eb2, eb3, eb4))
  ff = jnp.concatenate([emb_v, emb_e, nde_ref[...]], axis=1)
  ff_ref[...] = ff
  h = jnp.tanh(_dot(ff, mw1[...]) + mb1[...])
  h = jnp.tanh(_dot(h, mw2[...]) + mb2[...])
  h = jnp.tanh(_dot(h, mw3[...]) + mb3[...])
  yp = _dot(h, mw4[...]) + mb4[...]
  yp = jnp.where(mask_ref[...] != 0, -jnp.inf, yp)
  mx = jnp.max(yp, axis=-1, keepdims=True)
  lse = jnp.log(jnp.sum(jnp.exp(yp - mx), axis=-1, keepdims=True)) + mx
  out_ref[...] = yp - lse


def _tc_forward(mv, me, xv, xe, nde, maskf, *params):
  return pl.pallas_call(
      _tc_body,
      out_shape=[
          jax.ShapeDtypeStruct((B, 136), jnp.float32),
          jax.ShapeDtypeStruct((B, 11), jnp.float32),
      ],
      scratch_shapes=[pltpu.VMEM((B * NEP, 150), jnp.bfloat16)],
  )(mv, me, xv, xe, nde, maskf, *params)


def kernel(vertiport_features, vertiport_edge, evtol_features, evtol_edge,
           next_drone_embedding, mask,
           vW1, vb1, vW2, vb2, vW3, vb3, vW4, vb4,
           eW1, eb1, eW2, eb2, eW3, eb3, eW4, eb4,
           mW1, mb1, mW2, mb2, mW3, mb3, mW4, mb4):
  vrow = jnp.pad(vertiport_edge[0, 0].astype(jnp.int32), (0, EVP - EV))
  vcol = jnp.pad(vertiport_edge[0, 1].astype(jnp.int32), (0, EVP - EV),
                 constant_values=_SENT)
  erow = jnp.pad(evtol_edge[0, 0].astype(jnp.int32), (0, EEP - EE))
  ecol = jnp.pad(evtol_edge[0, 1].astype(jnp.int32), (0, EEP - EE),
                 constant_values=_SENT)

  mv_flat, me_flat = _sc_build_m(vrow, vcol, erow, ecol)
  mv = mv_flat.reshape(NVP, NVP).astype(jnp.bfloat16)
  me = me_flat.reshape(NEP, NEP).astype(jnp.bfloat16)

  xv = jnp.pad(vertiport_features.astype(jnp.float32),
               ((0, 0), (0, NVP - NV), (0, 0))).reshape(B * NVP, 4)
  xv = xv.astype(jnp.bfloat16)
  xe = jnp.pad(evtol_features.astype(jnp.float32),
               ((0, 0), (0, NEP - NE), (0, 0))).reshape(B * NEP, 5)
  xe = xe.astype(jnp.bfloat16)
  maskf = mask.astype(jnp.float32)

  def r2(v):
    return v.reshape(1, -1)

  def bf(w):
    return w.astype(jnp.bfloat16)

  params = (bf(vW1), r2(vb1), bf(vW2), r2(vb2), bf(vW3), r2(vb3), bf(vW4), r2(vb4),
            bf(eW1), r2(eb1), bf(eW2), r2(eb2), bf(eW3), r2(eb3), bf(eW4), r2(eb4),
            mW1, r2(mb1), mW2, r2(mb2), mW3, r2(mb3), mW4, r2(mb4))

  ff, out = _tc_forward(mv, me, xv, xe,
                        next_drone_embedding.astype(jnp.float32), maskf,
                        *params)
  return (ff, out)

# --- scband reference (transcript-rebuilt; emitter-appended) ---
"""Pipeline reference for scband-gnnfeature-extractor-48009144434999 (READ-ONLY COPY).

The authoritative reference and input builder live on the scoring server;
editing this copy changes nothing except your own understanding.
"""

import jax, jax.numpy as jnp
import numpy as np


def _glorot(key, fan_in, fan_out):
    limit = float(np.sqrt(6.0 / (fan_in + fan_out)))
    return jax.random.uniform(key, (fan_in, fan_out), minval=-limit, maxval=limit, dtype=jnp.float32)


def setup_inputs(seed: int = 0):
    key = jax.random.key(seed)
    ks = jax.random.split(key, 40)
    B, Nv, Ev, Ne, Ee = 16, 500, 8000, 1000, 16000
    inp = {}
    inp["vertiport_features"] = jax.random.normal(ks[0], (B, Nv, 4), dtype=jnp.float32)
    inp["vertiport_edge"] = jax.random.randint(ks[1], (1, 2, Ev), 0, Nv)
    inp["evtol_features"] = jax.random.normal(ks[2], (B, Ne, 5), dtype=jnp.float32)
    inp["evtol_edge"] = jax.random.randint(ks[3], (1, 2, Ee), 0, Ne)
    inp["next_drone_embedding"] = jax.random.normal(ks[4], (B, 8), dtype=jnp.float32)
    inp["mask"] = jnp.zeros((B, 11), dtype=bool)
    dims_v = [4, 150, 150, 150, 64]
    dims_e = [5, 150, 150, 150, 64]
    k = 5
    for i in range(4):
        inp["vW%d" % (i + 1)] = _glorot(ks[k], dims_v[i], dims_v[i + 1]); k += 1
        inp["vb%d" % (i + 1)] = jnp.zeros((dims_v[i + 1],), dtype=jnp.float32)
    for i in range(4):
        inp["eW%d" % (i + 1)] = _glorot(ks[k], dims_e[i], dims_e[i + 1]); k += 1
        inp["eb%d" % (i + 1)] = jnp.zeros((dims_e[i + 1],), dtype=jnp.float32)
    mlp_dims = [136, 128, 128, 64, 11]
    for i in range(4):
        inp["mW%d" % (i + 1)] = _glorot(ks[k], mlp_dims[i], mlp_dims[i + 1]); k += 1
        inp["mb%d" % (i + 1)] = jnp.zeros((mlp_dims[i + 1],), dtype=jnp.float32)
    return inp


def _gcn_conv(x, edge_index, W, b):
    # GCNConv with add_self_loops=True, normalize=True; x: [B, N, C] (PyG node_dim=-2 batched)
    N = x.shape[1]
    loops = jnp.arange(N, dtype=edge_index.dtype)
    row = jnp.concatenate([edge_index[0], loops])
    col = jnp.concatenate([edge_index[1], loops])
    deg = jnp.zeros((N,), x.dtype).at[col].add(1.0)
    safe = jnp.where(deg > 0, deg, 1.0)
    deg_inv_sqrt = jnp.where(deg > 0, 1.0 / jnp.sqrt(safe), 0.0)
    norm = deg_inv_sqrt[row] * deg_inv_sqrt[col]
    xw = x @ W
    msg = jnp.take(xw, row, axis=1) * norm[None, :, None]
    out = jnp.zeros((x.shape[0], N, W.shape[1]), x.dtype).at[:, col, :].add(msg)
    return out + b


def _gcn(x, edge_index, Ws, bs):
    x = _gcn_conv(x, edge_index, Ws[0], bs[0])
    x = jax.nn.leaky_relu(x, 0.1)
    x = _gcn_conv(x, edge_index, Ws[1], bs[1])
    x = jax.nn.leaky_relu(x, 0.1)
    x = _gcn_conv(x, edge_index, Ws[2], bs[2])
    x = jax.nn.leaky_relu(x, 0.1)
    x = _gcn_conv(x, edge_index, Ws[3], bs[3])
    return x.mean(axis=1)


def reference(vertiport_features, vertiport_edge, evtol_features, evtol_edge, next_drone_embedding, mask,
              vW1, vb1, vW2, vb2, vW3, vb3, vW4, vb4,
              eW1, eb1, eW2, eb2, eW3, eb3, eW4, eb4,
              mW1, mb1, mW2, mb2, mW3, mb3, mW4, mb4):
    vf = vertiport_features.astype(jnp.float32)
    vei = vertiport_edge[0]
    ef = evtol_features.astype(jnp.float32)
    eei = evtol_edge[0]
    v_emb = _gcn(vf, vei, [vW1, vW2, vW3, vW4], [vb1, vb2, vb3, vb4])
    e_emb = _gcn(ef, eei, [eW1, eW2, eW3, eW4], [eb1, eb2, eb3, eb4])
    final_features = jnp.concatenate([v_emb, e_emb, next_drone_embedding], axis=1)
    h = jnp.tanh(final_features @ mW1 + mb1)
    h = jnp.tanh(h @ mW2 + mb2)
    h = jnp.tanh(h @ mW3 + mb3)
    ypred = h @ mW4 + mb4
    ypred = jnp.where(mask, -jnp.inf, ypred)
    output = jax.nn.log_softmax(ypred, axis=-1)
    return (final_features, output)

if __name__ == "__main__":
    import jax
    _d = setup_inputs()
    print(jax.jit(kernel)(*tuple(_d.values())))

</pallas_src>

<mosaic_0001>
#map = affine_map<(d0, d1) -> (0)>
module attributes {stable_mosaic.version = 14 : i64} {
  func.func @k(%arg0: i32, %arg1: i32, %arg2: memref<8192xi32, #tpu.memory_space<hbm>>, %arg3: memref<8192xi32, #tpu.memory_space<hbm>>, %arg4: memref<16384xi32, #tpu.memory_space<hbm>>, %arg5: memref<16384xi32, #tpu.memory_space<hbm>>, %arg6: memref<262144xf32, #tpu.memory_space<hbm>>, %arg7: memref<1048576xf32, #tpu.memory_space<hbm>>, %arg8: memref<8192xi32, #tpu.memory_space<vmem>>, %arg9: memref<8192xi32, #tpu.memory_space<vmem>>, %arg10: memref<16384xi32, #tpu.memory_space<vmem>>, %arg11: memref<16384xi32, #tpu.memory_space<vmem>>, %arg12: memref<8192xf32, #tpu.memory_space<vmem>>, %arg13: memref<32768xf32, #tpu.memory_space<vmem>>, %arg14: memref<8192xi32, #tpu.memory_space<vmem_shared>>, %arg15: memref<8192xi32, #tpu.memory_space<vmem_shared>>, %arg16: memref<16384xi32, #tpu.memory_space<vmem_shared>>, %arg17: memref<16384xi32, #tpu.memory_space<vmem_shared>>) attributes {dimension_semantics = [#tpu.dimension_semantics<core_parallel>, #tpu.dimension_semantics<subcore_parallel>], iteration_bounds = array<i64: 2, 16>, scalar_prefetch = 0 : i64, scratch_operands = 10 : i64, tpu.core_type = #tpu.core_type<sc_vector_subcore>, window_params = [{transform_indices = #map}, {transform_indices = #map}, {transform_indices = #map}, {transform_indices = #map}, {transform_indices = #map}, {transform_indices = #map}]} {
    %mul3A = arith.constant 2 : i32
    %mul3A_0 = arith.muli %arg1, %mul3A : i32
    %add3A = arith.addi %mul3A_0, %arg0 : i32
    %mul3A_1 = arith.constant 512 : i32
    %mul3A_2 = arith.muli %arg1, %mul3A_1 : i32
    "tpu.region"() ({
      %run_scoped3A = tpu.sem_alloc : memref<!tpu.dma_semaphore, #tpu.memory_space<semaphore_mem>>
      %dma_start3A = arith.constant 0 : i32
      %dma_start3A_86 = tpu.memref_slice %arg8[%dma_start3A] : memref<8192xi32, #tpu.memory_space<vmem>> -> memref<512xi32, #tpu.memory_space<vmem>>
      %dma_start3A_87 = tpu.memref_slice %arg2[%mul3A_2] : memref<8192xi32, #tpu.memory_space<hbm>> -> memref<512xi32, #tpu.memory_space<hbm>>
      %dma_start3A_88 = arith.constant 0 : i32
      %dma_start3A_89 = tpu.memref_slice %arg8[%dma_start3A_88] : memref<8192xi32, #tpu.memory_space<vmem>> -> memref<512xi32, #tpu.memory_space<vmem>>
      %dma_start3A_90 = tpu.memref_slice %arg2[%mul3A_2] : memref<8192xi32, #tpu.memory_space<hbm>> -> memref<512xi32, #tpu.memory_space<hbm>>
      tpu.enqueue_dma source(%dma_start3A_90 : memref<512xi32, #tpu.memory_space<hbm>>) target(%dma_start3A_89 : memref<512xi32, #tpu.memory_space<vmem>>) target_semaphore(%run_scoped3A : memref<!tpu.dma_semaphore, #tpu.memory_space<semaphore_mem>>)
      %dma_wait3A = arith.constant 0 : i32
      %dma_wait3A_91 = tpu.memref_slice %arg8[%dma_wait3A] : memref<8192xi32, #tpu.memory_space<vmem>> -> memref<512xi32, #tpu.memory_space<vmem>>
      %dma_wait3A_92 = tpu.memref_slice %arg2[%mul3A_2] : memref<8192xi32, #tpu.memory_space<hbm>> -> memref<512xi32, #tpu.memory_space<hbm>>
      %dma_wait3A_93 = arith.constant 0 : i32
      %dma_wait3A_94 = tpu.memref_slice %arg8[%dma_wait3A_93] : memref<8192xi32, #tpu.memory_space<vmem>> -> memref<512xi32, #tpu.memory_space<vmem>>
      %dma_wait3A_95 = tpu.memref_slice %arg2[%mul3A_2] : memref<8192xi32, #tpu.memory_space<hbm>> -> memref<512xi32, #tpu.memory_space<hbm>>
      tpu.wait_dma2 semaphore(%run_scoped3A : memref<!tpu.dma_semaphore, #tpu.memory_space<semaphore_mem>>) src(%dma_wait3A_95 : memref<512xi32, #tpu.memory_space<hbm>>) dst(%dma_wait3A_94 : memref<512xi32, #tpu.memory_space<vmem>>)
      tpu.yield
    }) : () -> ()
    %mul3A_3 = arith.constant 512 : i32
    %mul3A_4 = arith.muli %arg1, %mul3A_3 : i32
    "tpu.region"() ({
      %run_scoped3A = tpu.sem_alloc : memref<!tpu.dma_semaphore, #tpu.memory_space<semaphore_mem>>
      %dma_start3A = arith.constant 0 : i32
      %dma_start3A_86 = tpu.memref_slice %arg8[%dma_start3A] : memref<8192xi32, #tpu.memory_space<vmem>> -> memref<512xi32, #tpu.memory_space<vmem>>
      %dma_start3A_87 = tpu.memref_slice %arg14[%mul3A_4] : memref<8192xi32, #tpu.memory_space<vmem_shared>> -> memref<512xi32, #tpu.memory_space<vmem_shared>>
      %dma_start3A_88 = tpu.memref_slice %arg14[%mul3A_4] : memref<8192xi32, #tpu.memory_space<vmem_shared>> -> memref<512xi32, #tpu.memory_space<vmem_shared>>
      %dma_start3A_89 = arith.constant 0 : i32
      %dma_start3A_90 = tpu.memref_slice %arg8[%dma_start3A_89] : memref<8192xi32, #tpu.memory_space<vmem>> -> memref<512xi32, #tpu.memory_space<vmem>>
      tpu.enqueue_dma source(%dma_start3A_90 : memref<512xi32, #tpu.memory_space<vmem>>) target(%dma_start3A_88 : memref<512xi32, #tpu.memory_space<vmem_shared>>) target_semaphore(%run_scoped3A : memref<!tpu.dma_semaphore, #tpu.memory_space<semaphore_mem>>)
      %dma_wait3A = arith.constant 0 : i32
      %dma_wait3A_91 = tpu.memref_slice %arg8[%dma_wait3A] : memref<8192xi32, #tpu.memory_space<vmem>> -> memref<512xi32, #tpu.memory_space<vmem>>
      %dma_wait3A_92 = tpu.memref_slice %arg14[%mul3A_4] : memref<8192xi32, #tpu.memory_space<vmem_shared>> -> memref<512xi32, #tpu.memory_space<vmem_shared>>
      %dma_wait3A_93 = tpu.memref_slice %arg14[%mul3A_4] : memref<8192xi32, #tpu.memory_space<vmem_shared>> -> memref<512xi32, #tpu.memory_space<vmem_shared>>
      %dma_wait3A_94 = arith.constant 0 : i32
      %dma_wait3A_95 = tpu.memref_slice %arg8[%dma_wait3A_94] : memref<8192xi32, #tpu.memory_space<vmem>> -> memref<512xi32, #tpu.memory_space<vmem>>
      tpu.wait_dma2 semaphore(%run_scoped3A : memref<!tpu.dma_semaphore, #tpu.memory_space<semaphore_mem>>) src(%dma_wait3A_95 : memref<512xi32, #tpu.memory_space<vmem>>) dst(%dma_wait3A_93 : memref<512xi32, #tpu.memory_space<vmem_shared>>)
      tpu.yield
    }) : () -> ()
    %mul3A_5 = arith.constant 512 : i32
    %mul3A_6 = arith.muli %arg1, %mul3A_5 : i32
    "tpu.region"() ({
      %run_scoped3A = tpu.sem_alloc : memref<!tpu.dma_semaphore, #tpu.memory_space<semaphore_mem>>
      %dma_start3A = arith.constant 0 : i32
      %dma_start3A_86 = tpu.memref_slice %arg9[%dma_start3A] : memref<8192xi32, #tpu.memory_space<vmem>> -> memref<512xi32, #tpu.memory_space<vmem>>
      %dma_start3A_87 = tpu.memref_slice %arg3[%mul3A_6] : memref<8192xi32, #tpu.memory_space<hbm>> -> memref<512xi32, #tpu.memory_space<hbm>>
      %dma_start3A_88 = arith.constant 0 : i32
      %dma_start3A_89 = tpu.memref_slice %arg9[%dma_start3A_88] : memref<8192xi32, #tpu.memory_space<vmem>> -> memref<512xi32, #tpu.memory_space<vmem>>
      %dma_start3A_90 = tpu.memref_slice %arg3[%mul3A_6] : memref<8192xi32, #tpu.memory_space<hbm>> -> memref<512xi32, #tpu.memory_space<hbm>>
      tpu.enqueue_dma source(%dma_start3A_90 : memref<512xi32, #tpu.memory_space<hbm>>) target(%dma_start3A_89 : memref<512xi32, #tpu.memory_space<vmem>>) target_semaphore(%run_scoped3A : memref<!tpu.dma_semaphore, #tpu.memory_space<semaphore_mem>>)
      %dma_wait3A = arith.constant 0 : i32
      %dma_wait3A_91 = tpu.memref_slice %arg9[%dma_wait3A] : memref<8192xi32, #tpu.memory_space<vmem>> -> memref<512xi32, #tpu.memory_space<vmem>>
      %dma_wait3A_92 = tpu.memref_slice %arg3[%mul3A_6] : memref<8192xi32, #tpu.memory_space<hbm>> -> memref<512xi32, #tpu.memory_space<hbm>>
      %dma_wait3A_93 = arith.constant 0 : i32
      %dma_wait3A_94 = tpu.memref_slice %arg9[%dma_wait3A_93] : memref<8192xi32, #tpu.memory_space<vmem>> -> memref<512xi32, #tpu.memory_space<vmem>>
      %dma_wait3A_95 = tpu.memref_slice %arg3[%mul3A_6] : memref<8192xi32, #tpu.memory_space<hbm>> -> memref<512xi32, #tpu.memory_space<hbm>>
      tpu.wait_dma2 semaphore(%run_scoped3A : memref<!tpu.dma_semaphore, #tpu.memory_space<semaphore_mem>>) src(%dma_wait3A_95 : memref<512xi32, #tpu.memory_space<hbm>>) dst(%dma_wait3A_94 : memref<512xi32, #tpu.memory_space<vmem>>)
      tpu.yield
    }) : () -> ()
    %mul3A_7 = arith.constant 512 : i32
    %mul3A_8 = arith.muli %arg1, %mul3A_7 : i32
    "tpu.region"() ({
      %run_scoped3A = tpu.sem_alloc : memref<!tpu.dma_semaphore, #tpu.memory_space<semaphore_mem>>
      %dma_start3A = arith.constant 0 : i32
      %dma_start3A_86 = tpu.memref_slice %arg9[%dma_start3A] : memref<8192xi32, #tpu.memory_space<vmem>> -> memref<512xi32, #tpu.memory_space<vmem>>
      %dma_start3A_87 = tpu.memref_slice %arg15[%mul3A_8] : memref<8192xi32, #tpu.memory_space<vmem_shared>> -> memref<512xi32, #tpu.memory_space<vmem_shared>>
      %dma_start3A_88 = tpu.memref_slice %arg15[%mul3A_8] : memref<8192xi32, #tpu.memory_space<vmem_shared>> -> memref<512xi32, #tpu.memory_space<vmem_shared>>
      %dma_start3A_89 = arith.constant 0 : i32
      %dma_start3A_90 = tpu.memref_slice %arg9[%dma_start3A_89] : memref<8192xi32, #tpu.memory_space<vmem>> -> memref<512xi32, #tpu.memory_space<vmem>>
      tpu.enqueue_dma source(%dma_start3A_90 : memref<512xi32, #tpu.memory_space<vmem>>) target(%dma_start3A_88 : memref<512xi32, #tpu.memory_space<vmem_shared>>) target_semaphore(%run_scoped3A : memref<!tpu.dma_semaphore, #tpu.memory_space<semaphore_mem>>)
      %dma_wait3A = arith.constant 0 : i32
      %dma_wait3A_91 = tpu.memref_slice %arg9[%dma_wait3A] : memref<8192xi32, #tpu.memory_space<vmem>> -> memref<512xi32, #tpu.memory_space<vmem>>
      %dma_wait3A_92 = tpu.memref_slice %arg15[%mul3A_8] : memref<8192xi32, #tpu.memory_space<vmem_shared>> -> memref<512xi32, #tpu.memory_space<vmem_shared>>
      %dma_wait3A_93 = tpu.memref_slice %arg15[%mul3A_8] : memref<8192xi32, #tpu.memory_space<vmem_shared>> -> memref<512xi32, #tpu.memory_space<vmem_shared>>
      %dma_wait3A_94 = arith.constant 0 : i32
      %dma_wait3A_95 = tpu.memref_slice %arg9[%dma_wait3A_94] : memref<8192xi32, #tpu.memory_space<vmem>> -> memref<512xi32, #tpu.memory_space<vmem>>
      tpu.wait_dma2 semaphore(%run_scoped3A : memref<!tpu.dma_semaphore, #tpu.memory_space<semaphore_mem>>) src(%dma_wait3A_95 : memref<512xi32, #tpu.memory_space<vmem>>) dst(%dma_wait3A_93 : memref<512xi32, #tpu.memory_space<vmem_shared>>)
      tpu.yield
    }) : () -> ()
    %mul3A_9 = arith.constant 1024 : i32
    %mul3A_10 = arith.muli %arg1, %mul3A_9 : i32
    "tpu.region"() ({
      %run_scoped3A = tpu.sem_alloc : memref<!tpu.dma_semaphore, #tpu.memory_space<semaphore_mem>>
      %dma_start3A = arith.constant 0 : i32
      %dma_start3A_86 = tpu.memref_slice %arg10[%dma_start3A] : memref<16384xi32, #tpu.memory_space<vmem>> -> memref<1024xi32, #tpu.memory_space<vmem>>
      %dma_start3A_87 = tpu.memref_slice %arg4[%mul3A_10] : memref<16384xi32, #tpu.memory_space<hbm>> -> memref<1024xi32, #tpu.memory_space<hbm>>
      %dma_start3A_88 = arith.constant 0 : i32
      %dma_start3A_89 = tpu.memref_slice %arg10[%dma_start3A_88] : memref<16384xi32, #tpu.memory_space<vmem>> -> memref<1024xi32, #tpu.memory_space<vmem>>
      %dma_start3A_90 = tpu.memref_slice %arg4[%mul3A_10] : memref<16384xi32, #tpu.memory_space<hbm>> -> memref<1024xi32, #tpu.memory_space<hbm>>
      tpu.enqueue_dma source(%dma_start3A_90 : memref<1024xi32, #tpu.memory_space<hbm>>) target(%dma_start3A_89 : memref<1024xi32, #tpu.memory_space<vmem>>) target_semaphore(%run_scoped3A : memref<!tpu.dma_semaphore, #tpu.memory_space<semaphore_mem>>)
      %dma_wait3A = arith.constant 0 : i32
      %dma_wait3A_91 = tpu.memref_slice %arg10[%dma_wait3A] : memref<16384xi32, #tpu.memory_space<vmem>> -> memref<1024xi32, #tpu.memory_space<vmem>>
      %dma_wait3A_92 = tpu.memref_slice %arg4[%mul3A_10] : memref<16384xi32, #tpu.memory_space<hbm>> -> memref<1024xi32, #tpu.memory_space<hbm>>
      %dma_wait3A_93 = arith.constant 0 : i32
      %dma_wait3A_94 = tpu.memref_slice %arg10[%dma_wait3A_93] : memref<16384xi32, #tpu.memory_space<vmem>> -> memref<1024xi32, #tpu.memory_space<vmem>>
      %dma_wait3A_95 = tpu.memref_slice %arg4[%mul3A_10] : memref<16384xi32, #tpu.memory_space<hbm>> -> memref<1024xi32, #tpu.memory_space<hbm>>
      tpu.wait_dma2 semaphore(%run_scoped3A : memref<!tpu.dma_semaphore, #tpu.memory_space<semaphore_mem>>) src(%dma_wait3A_95 : memref<1024xi32, #tpu.memory_space<hbm>>) dst(%dma_wait3A_94 : memref<1024xi32, #tpu.memory_space<vmem>>)
      tpu.yield
    }) : () -> ()
    %mul3A_11 = arith.constant 1024 : i32
    %mul3A_12 = arith.muli %arg1, %mul3A_11 : i32
    "tpu.region"() ({
      %run_scoped3A = tpu.sem_alloc : memref<!tpu.dma_semaphore, #tpu.memory_space<semaphore_mem>>
      %dma_start3A = arith.constant 0 : i32
      %dma_start3A_86 = tpu.memref_slice %arg10[%dma_start3A] : memref<16384xi32, #tpu.memory_space<vmem>> -> memref<1024xi32, #tpu.memory_space<vmem>>
      %dma_start3A_87 = tpu.memref_slice %arg16[%mul3A_12] : memref<16384xi32, #tpu.memory_space<vmem_shared>> -> memref<1024xi32, #tpu.memory_space<vmem_shared>>
      %dma_start3A_88 = tpu.memref_slice %arg16[%mul3A_12] : memref<16384xi32, #tpu.memory_space<vmem_shared>> -> memref<1024xi32, #tpu.memory_space<vmem_shared>>
      %dma_start3A_89 = arith.constant 0 : i32
      %dma_start3A_90 = tpu.memref_slice %arg10[%dma_start3A_89] : memref<16384xi32, #tpu.memory_space<vmem>> -> memref<1024xi32, #tpu.memory_space<vmem>>
      tpu.enqueue_dma source(%dma_start3A_90 : memref<1024xi32, #tpu.memory_space<vmem>>) target(%dma_start3A_88 : memref<1024xi32, #tpu.memory_space<vmem_shared>>) target_semaphore(%run_scoped3A : memref<!tpu.dma_semaphore, #tpu.memory_space<semaphore_mem>>)
      %dma_wait3A = arith.constant 0 : i32
      %dma_wait3A_91 = tpu.memref_slice %arg10[%dma_wait3A] : memref<16384xi32, #tpu.memory_space<vmem>> -> memref<1024xi32, #tpu.memory_space<vmem>>
      %dma_wait3A_92 = tpu.memref_slice %arg16[%mul3A_12] : memref<16384xi32, #tpu.memory_space<vmem_shared>> -> memref<1024xi32, #tpu.memory_space<vmem_shared>>
      %dma_wait3A_93 = tpu.memref_slice %arg16[%mul3A_12] : memref<16384xi32, #tpu.memory_space<vmem_shared>> -> memref<1024xi32, #tpu.memory_space<vmem_shared>>
      %dma_wait3A_94 = arith.constant 0 : i32
      %dma_wait3A_95 = tpu.memref_slice %arg10[%dma_wait3A_94] : memref<16384xi32, #tpu.memory_space<vmem>> -> memref<1024xi32, #tpu.memory_space<vmem>>
      tpu.wait_dma2 semaphore(%run_scoped3A : memref<!tpu.dma_semaphore, #tpu.memory_space<semaphore_mem>>) src(%dma_wait3A_95 : memref<1024xi32, #tpu.memory_space<vmem>>) dst(%dma_wait3A_93 : memref<1024xi32, #tpu.memory_space<vmem_shared>>)
      tpu.yield
    }) : () -> ()
    %mul3A_13 = arith.constant 1024 : i32
    %mul3A_14 = arith.muli %arg1, %mul3A_13 : i32
    "tpu.region"() ({
      %run_scoped3A = tpu.sem_alloc : memref<!tpu.dma_semaphore, #tpu.memory_space<semaphore_mem>>
      %dma_start3A = arith.constant 0 : i32
      %dma_start3A_86 = tpu.memref_slice %arg11[%dma_start3A] : memref<16384xi32, #tpu.memory_space<vmem>> -> memref<1024xi32, #tpu.memory_space<vmem>>
      %dma_start3A_87 = tpu.memref_slice %arg5[%mul3A_14] : memref<16384xi32, #tpu.memory_space<hbm>> -> memref<1024xi32, #tpu.memory_space<hbm>>
      %dma_start3A_88 = arith.constant 0 : i32
      %dma_start3A_89 = tpu.memref_slice %arg11[%dma_start3A_88] : memref<16384xi32, #tpu.memory_space<vmem>> -> memref<1024xi32, #tpu.memory_space<vmem>>
      %dma_start3A_90 = tpu.memref_slice %arg5[%mul3A_14] : memref<16384xi32, #tpu.memory_space<hbm>> -> memref<1024xi32, #tpu.memory_space<hbm>>
      tpu.enqueue_dma source(%dma_start3A_90 : memref<1024xi32, #tpu.memory_space<hbm>>) target(%dma_start3A_89 : memref<1024xi32, #tpu.memory_space<vmem>>) target_semaphore(%run_scoped3A : memref<!tpu.dma_semaphore, #tpu.memory_space<semaphore_mem>>)
      %dma_wait3A = arith.constant 0 : i32
      %dma_wait3A_91 = tpu.memref_slice %arg11[%dma_wait3A] : memref<16384xi32, #tpu.memory_space<vmem>> -> memref<1024xi32, #tpu.memory_space<vmem>>
      %dma_wait3A_92 = tpu.memref_slice %arg5[%mul3A_14] : memref<16384xi32, #tpu.memory_space<hbm>> -> memref<1024xi32, #tpu.memory_space<hbm>>
      %dma_wait3A_93 = arith.constant 0 : i32
      %dma_wait3A_94 = tpu.memref_slice %arg11[%dma_wait3A_93] : memref<16384xi32, #tpu.memory_space<vmem>> -> memref<1024xi32, #tpu.memory_space<vmem>>
      %dma_wait3A_95 = tpu.memref_slice %arg5[%mul3A_14] : memref<16384xi32, #tpu.memory_space<hbm>> -> memref<1024xi32, #tpu.memory_space<hbm>>
      tpu.wait_dma2 semaphore(%run_scoped3A : memref<!tpu.dma_semaphore, #tpu.memory_space<semaphore_mem>>) src(%dma_wait3A_95 : memref<1024xi32, #tpu.memory_space<hbm>>) dst(%dma_wait3A_94 : memref<1024xi32, #tpu.memory_space<vmem>>)
      tpu.yield
    }) : () -> ()
    %mul3A_15 = arith.constant 1024 : i32
    %mul3A_16 = arith.muli %arg1, %mul3A_15 : i32
    "tpu.region"() ({
      %run_scoped3A = tpu.sem_alloc : memref<!tpu.dma_semaphore, #tpu.memory_space<semaphore_mem>>
      %dma_start3A = arith.constant 0 : i32
      %dma_start3A_86 = tpu.memref_slice %arg11[%dma_start3A] : memref<16384xi32, #tpu.memory_space<vmem>> -> memref<1024xi32, #tpu.memory_space<vmem>>
      %dma_start3A_87 = tpu.memref_slice %arg17[%mul3A_16] : memref<16384xi32, #tpu.memory_space<vmem_shared>> -> memref<1024xi32, #tpu.memory_space<vmem_shared>>
      %dma_start3A_88 = tpu.memref_slice %arg17[%mul3A_16] : memref<16384xi32, #tpu.memory_space<vmem_shared>> -> memref<1024xi32, #tpu.memory_space<vmem_shared>>
      %dma_start3A_89 = arith.constant 0 : i32
      %dma_start3A_90 = tpu.memref_slice %arg11[%dma_start3A_89] : memref<16384xi32, #tpu.memory_space<vmem>> -> memref<1024xi32, #tpu.memory_space<vmem>>
      tpu.enqueue_dma source(%dma_start3A_90 : memref<1024xi32, #tpu.memory_space<vmem>>) target(%dma_start3A_88 : memref<1024xi32, #tpu.memory_space<vmem_shared>>) target_semaphore(%run_scoped3A : memref<!tpu.dma_semaphore, #tpu.memory_space<semaphore_mem>>)
      %dma_wait3A = arith.constant 0 : i32
      %dma_wait3A_91 = tpu.memref_slice %arg11[%dma_wait3A] : memref<16384xi32, #tpu.memory_space<vmem>> -> memref<1024xi32, #tpu.memory_space<vmem>>
      %dma_wait3A_92 = tpu.memref_slice %arg17[%mul3A_16] : memref<16384xi32, #tpu.memory_space<vmem_shared>> -> memref<1024xi32, #tpu.memory_space<vmem_shared>>
      %dma_wait3A_93 = tpu.memref_slice %arg17[%mul3A_16] : memref<16384xi32, #tpu.memory_space<vmem_shared>> -> memref<1024xi32, #tpu.memory_space<vmem_shared>>
      %dma_wait3A_94 = arith.constant 0 : i32
      %dma_wait3A_95 = tpu.memref_slice %arg11[%dma_wait3A_94] : memref<16384xi32, #tpu.memory_space<vmem>> -> memref<1024xi32, #tpu.memory_space<vmem>>
      tpu.wait_dma2 semaphore(%run_scoped3A : memref<!tpu.dma_semaphore, #tpu.memory_space<semaphore_mem>>) src(%dma_wait3A_95 : memref<1024xi32, #tpu.memory_space<vmem>>) dst(%dma_wait3A_93 : memref<1024xi32, #tpu.memory_space<vmem_shared>>)
      tpu.yield
    }) : () -> ()
    %barrier3A = arith.constant 0 : index
    tpu.barrier barrier_id(%barrier3A)
    %mul3A_17 = arith.constant 16 : i32
    %mul3A_18 = arith.muli %add3A, %mul3A_17 : i32
    "tpu.region"() ({
      %run_scoped3A = tpu.sem_alloc : memref<!tpu.dma_semaphore, #tpu.memory_space<semaphore_mem>>
      tpu.enqueue_dma source(%arg14 : memref<8192xi32, #tpu.memory_space<vmem_shared>>) target(%arg8 : memref<8192xi32, #tpu.memory_space<vmem>>) target_semaphore(%run_scoped3A : memref<!tpu.dma_semaphore, #tpu.memory_space<semaphore_mem>>)
      tpu.wait_dma2 semaphore(%run_scoped3A : memref<!tpu.dma_semaphore, #tpu.memory_space<semaphore_mem>>) src(%arg14 : memref<8192xi32, #tpu.memory_space<vmem_shared>>) dst(%arg8 : memref<8192xi32, #tpu.memory_space<vmem>>)
      tpu.yield
    }) : () -> ()
    "tpu.region"() ({
      %run_scoped3A = tpu.sem_alloc : memref<!tpu.dma_semaphore, #tpu.memory_space<semaphore_mem>>
      tpu.enqueue_dma source(%arg15 : memref<8192xi32, #tpu.memory_space<vmem_shared>>) target(%arg9 : memref<8192xi32, #tpu.memory_space<vmem>>) target_semaphore(%run_scoped3A : memref<!tpu.dma_semaphore, #tpu.memory_space<semaphore_mem>>)
      tpu.wait_dma2 semaphore(%run_scoped3A : memref<!tpu.dma_semaphore, #tpu.memory_space<semaphore_mem>>) src(%arg15 : memref<8192xi32, #tpu.memory_space<vmem_shared>>) dst(%arg9 : memref<8192xi32, #tpu.memory_space<vmem>>)
      tpu.yield
    }) : () -> ()
    %scan3A = arith.constant 0 : i32
    %scan3A_19 = arith.constant 0 : i32
    %scan3A_20 = arith.constant 512 : i32
    %scan3A_21 = arith.addi %scan3A_19, %scan3A_20 : i32
    %scan3A_22 = arith.constant 8 : i32
    %scan3A_23 = scf.for %scan3A_86 = %scan3A_19 to %scan3A_21 step %scan3A_22 iter_args(%scan3A_87 = %scan3A) -> (i32)  : i32 {
      %broadcast_in_dim3A_88 = arith.constant 0.000000e+00 : f32
      %broadcast_in_dim3A_89 = vector.broadcast %broadcast_in_dim3A_88 : f32 to vector<16xf32>
      %mul3A_90 = arith.constant 16 : i32
      %mul3A_91 = arith.muli %scan3A_86, %mul3A_90 : i32
      %swap3A = arith.index_cast %mul3A_91 : i32 to index
      %swap3A_92 = tpu.vector_load %arg12[%swap3A] {strides = array<i32>} : memref<8192xf32, #tpu.memory_space<vmem>>, vector<16xf32>,
      tpu.vector_store %arg12[%swap3A], %broadcast_in_dim3A_89 {strides = array<i32>} : memref<8192xf32, #tpu.memory_space<vmem>>, vector<16xf32>,
      %scan3A_93 = arith.constant 0 : i32
      %scan3A_94 = arith.constant 1 : i32
      %scan3A_95 = arith.addi %scan3A_86, %scan3A_94 : i32
      %broadcast_in_dim3A_96 = arith.constant 0.000000e+00 : f32
      %broadcast_in_dim3A_97 = vector.broadcast %broadcast_in_dim3A_96 : f32 to vector<16xf32>
      %mul3A_98 = arith.constant 16 : i32
      %mul3A_99 = arith.muli %scan3A_95, %mul3A_98 : i32
      %swap3A_100 = arith.index_cast %mul3A_99 : i32 to index
      %swap3A_101 = tpu.vector_load %arg12[%swap3A_100] {strides = array<i32>} : memref<8192xf32, #tpu.memory_space<vmem>>, vector<16xf32>,
      tpu.vector_store %arg12[%swap3A_100], %broadcast_in_dim3A_97 {strides = array<i32>} : memref<8192xf32, #tpu.memory_space<vmem>>, vector<16xf32>,
      %scan3A_102 = arith.constant 0 : i32
      %scan3A_103 = arith.constant 2 : i32
      %scan3A_104 = arith.addi %scan3A_86, %scan3A_103 : i32
      %broadcast_in_dim3A_105 = arith.constant 0.000000e+00 : f32
      %broadcast_in_dim3A_106 = vector.broadcast %broadcast_in_dim3A_105 : f32 to vector<16xf32>
      %mul3A_107 = arith.constant 16 : i32
      %mul3A_108 = arith.muli %scan3A_104, %mul3A_107 : i32
      %swap3A_109 = arith.index_cast %mul3A_108 : i32 to index
      %swap3A_110 = tpu.vector_load %arg12[%swap3A_109] {strides = array<i32>} : memref<8192xf32, #tpu.memory_space<vmem>>, vector<16xf32>,
      tpu.vector_store %arg12[%swap3A_109], %broadcast_in_dim3A_106 {strides = array<i32>} : memref<8192xf32, #tpu.memory_space<vmem>>, vector<16xf32>,
      %scan3A_111 = arith.constant 0 : i32
      %scan3A_112 = arith.constant 3 : i32
      %scan3A_113 = arith.addi %scan3A_86, %scan3A_112 : i32
      %broadcast_in_dim3A_114 = arith.constant 0.000000e+00 : f32
      %broadcast_in_dim3A_115 = vector.broadcast %broadcast_in_dim3A_114 : f32 to vector<16xf32>
      %mul3A_116 = arith.constant 16 : i32
      %mul3A_117 = arith.muli %scan3A_113, %mul3A_116 : i32
      %swap3A_118 = arith.index_cast %mul3A_117 : i32 to index
      %swap3A_119 = tpu.vector_load %arg12[%swap3A_118] {strides = array<i32>} : memref<8192xf32, #tpu.memory_space<vmem>>, vector<16xf32>,
      tpu.vector_store %arg12[%swap3A_118], %broadcast_in_dim3A_115 {strides = array<i32>} : memref<8192xf32, #tpu.memory_space<vmem>>, vector<16xf32>,
      %scan3A_120 = arith.constant 0 : i32
      %scan3A_121 = arith.constant 4 : i32
      %scan3A_122 = arith.addi %scan3A_86, %scan3A_121 : i32
      %broadcast_in_dim3A_123 = arith.constant 0.000000e+00 : f32
      %broadcast_in_dim3A_124 = vector.broadcast %broadcast_in_dim3A_123 : f32 to vector<16xf32>
      %mul3A_125 = arith.constant 16 : i32
      %mul3A_126 = arith.muli %scan3A_122, %mul3A_125 : i32
      %swap3A_127 = arith.index_cast %mul3A_126 : i32 to index
      %swap3A_128 = tpu.vector_load %arg12[%swap3A_127] {strides = array<i32>} : memref<8192xf32, #tpu.memory_space<vmem>>, vector<16xf32>,
      tpu.vector_store %arg12[%swap3A_127], %broadcast_in_dim3A_124 {strides = array<i32>} : memref<8192xf32, #tpu.memory_space<vmem>>, vector<16xf32>,
      %scan3A_129 = arith.constant 0 : i32
      %scan3A_130 = arith.constant 5 : i32
      %scan3A_131 = arith.addi %scan3A_86, %scan3A_130 : i32
      %broadcast_in_dim3A_132 = arith.constant 0.000000e+00 : f32
      %broadcast_in_dim3A_133 = vector.broadcast %broadcast_in_dim3A_132 : f32 to vector<16xf32>
      %mul3A_134 = arith.constant 16 : i32
      %mul3A_135 = arith.muli %scan3A_131, %mul3A_134 : i32
      %swap3A_136 = arith.index_cast %mul3A_135 : i32 to index
      %swap3A_137 = tpu.vector_load %arg12[%swap3A_136] {strides = array<i32>} : memref<8192xf32, #tpu.memory_space<vmem>>, vector<16xf32>,
      tpu.vector_store %arg12[%swap3A_136], %broadcast_in_dim3A_133 {strides = array<i32>} : memref<8192xf32, #tpu.memory_space<vmem>>, vector<16xf32>,
      %scan3A_138 = arith.constant 0 : i32
      %scan3A_139 = arith.constant 6 : i32
      %scan3A_140 = arith.addi %scan3A_86, %scan3A_139 : i32
      %broadcast_in_dim3A_141 = arith.constant 0.000000e+00 : f32
      %broadcast_in_dim3A_142 = vector.broadcast %broadcast_in_dim3A_141 : f32 to vector<16xf32>
      %mul3A_143 = arith.constant 16 : i32
      %mul3A_144 = arith.muli %scan3A_140, %mul3A_143 : i32
      %swap3A_145 = arith.index_cast %mul3A_144 : i32 to index
      %swap3A_146 = tpu.vector_load %arg12[%swap3A_145] {strides = array<i32>} : memref<8192xf32, #tpu.memory_space<vmem>>, vector<16xf32>,
      tpu.vector_store %arg12[%swap3A_145], %broadcast_in_dim3A_142 {strides = array<i32>} : memref<8192xf32, #tpu.memory_space<vmem>>, vector<16xf32>,
      %scan3A_147 = arith.constant 0 : i32
      %scan3A_148 = arith.constant 7 : i32
      %scan3A_149 = arith.addi %scan3A_86, %scan3A_148 : i32
      %broadcast_in_dim3A_150 = arith.constant 0.000000e+00 : f32
      %broadcast_in_dim3A_151 = vector.broadcast %broadcast_in_dim3A_150 : f32 to vector<16xf32>
      %mul3A_152 = arith.constant 16 : i32
      %mul3A_153 = arith.muli %scan3A_149, %mul3A_152 : i32
      %swap3A_154 = arith.index_cast %mul3A_153 : i32 to index
      %swap3A_155 = tpu.vector_load %arg12[%swap3A_154] {strides = array<i32>} : memref<8192xf32, #tpu.memory_space<vmem>>, vector<16xf32>,
      tpu.vector_store %arg12[%swap3A_154], %broadcast_in_dim3A_151 {strides = array<i32>} : memref<8192xf32, #tpu.memory_space<vmem>>, vector<16xf32>,
      %scan3A_156 = arith.constant 0 : i32
      scf.yield %scan3A_156 : i32
    }
    %scan3A_24 = arith.constant 512 : i32
    %iota3A = tpu.iota {dimensions = array<i32: 0>} : vector<16xi32>
    %add3A_25 = arith.constant 0 : i32
    %add3A_26 = vector.broadcast %add3A_25 : i32 to vector<16xi32>
    %add3A_27 = arith.addi %add3A_26, %iota3A : vector<16xi32>
    %mul3A_28 = arith.constant 513 : i32
    %mul3A_29 = vector.broadcast %mul3A_28 : i32 to vector<16xi32>
    %mul3A_30 = arith.muli %add3A_27, %mul3A_29 : vector<16xi32>
    %add3A_31 = vector.broadcast %mul3A_18 : i32 to vector<16xi32>
    %add3A_32 = arith.addi %mul3A_30, %add3A_31 : vector<16xi32>
    %broadcast_in_dim3A = arith.constant 1.000000e+00 : f32
    %broadcast_in_dim3A_33 = vector.broadcast %broadcast_in_dim3A : f32 to vector<16xf32>
    tpu.vector_store_idx %arg12[%add3A_32], %broadcast_in_dim3A_33 : memref<8192xf32, #tpu.memory_space<vmem>>[vector<16xi32>], vector<16xf32>,
    %broadcast_in_dim3A_34 = arith.constant 1.000000e+00 : f32
    %broadcast_in_dim3A_35 = vector.broadcast %broadcast_in_dim3A_34 : f32 to vector<16xf32>
    %scan3A_36 = arith.constant 0 : i32
    %scan3A_37 = arith.constant 0 : i32
    %scan3A_38 = arith.constant 512 : i32
    %scan3A_39 = arith.addi %scan3A_37, %scan3A_38 : i32
    %scan3A_40 = arith.constant 4 : i32
    %scan3A_41 = scf.for %scan3A_86 = %scan3A_37 to %scan3A_39 step %scan3A_40 iter_args(%scan3A_87 = %scan3A_36) -> (i32)  : i32 {
      %mul3A_88 = arith.constant 16 : i32
      %mul3A_89 = arith.muli %scan3A_86, %mul3A_88 : i32
      %get3A = arith.index_cast %mul3A_89 : i32 to index
      %get3A_90 = tpu.vector_load %arg8[%get3A] {strides = array<i32>} : memref<8192xi32, #tpu.memory_space<vmem>>, vector<16xi32>,
      %mul3A_91 = arith.constant 16 : i32
      %mul3A_92 = arith.muli %scan3A_86, %mul3A_91 : i32
      %get3A_93 = arith.index_cast %mul3A_92 : i32 to index
      %get3A_94 = tpu.vector_load %arg9[%get3A_93] {strides = array<i32>} : memref<8192xi32, #tpu.memory_space<vmem>>, vector<16xi32>,
      %sub3A = vector.broadcast %mul3A_18 : i32 to vector<16xi32>
      %sub3A_95 = arith.subi %get3A_94, %sub3A : vector<16xi32>
      %ge3A = arith.constant 0 : i32
      %ge3A_96 = vector.broadcast %ge3A : i32 to vector<16xi32>
      %ge3A_97 = arith.cmpi sge, %sub3A_95, %ge3A_96 : vector<16xi32>
      %lt3A = arith.constant 16 : i32
      %lt3A_98 = vector.broadcast %lt3A : i32 to vector<16xi32>
      %lt3A_99 = arith.cmpi slt, %sub3A_95, %lt3A_98 : vector<16xi32>
      %and3A = arith.andi %ge3A_97, %lt3A_99 : vector<16xi1>
      %mul3A_100 = arith.constant 512 : i32
      %mul3A_101 = vector.broadcast %mul3A_100 : i32 to vector<16xi32>
      %mul3A_102 = arith.muli %sub3A_95, %mul3A_101 : vector<16xi32>
      %add3A_103 = arith.addi %mul3A_102, %get3A_90 : vector<16xi32>
      %jit3A = arith.constant 0 : i32
      %broadcast_in_dim3A_104 = vector.broadcast %jit3A : i32 to vector<16xi32>
      %select_n3A = arith.select %and3A, %add3A_103, %broadcast_in_dim3A_104 : vector<16xi1>, vector<16xi32>
      tpu.vector_store_idx %arg12[%select_n3A], %broadcast_in_dim3A_35 masked %and3A {add = true} : memref<8192xf32, #tpu.memory_space<vmem>>[vector<16xi32>], vector<16xf32>, vector<16xi1>
      %scan3A_105 = arith.constant 0 : i32
      %scan3A_106 = arith.constant 1 : i32
      %scan3A_107 = arith.addi %scan3A_86, %scan3A_106 : i32
      %mul3A_108 = arith.constant 16 : i32
      %mul3A_109 = arith.muli %scan3A_107, %mul3A_108 : i32
      %get3A_110 = arith.index_cast %mul3A_109 : i32 to index
      %get3A_111 = tpu.vector_load %arg8[%get3A_110] {strides = array<i32>} : memref<8192xi32, #tpu.memory_space<vmem>>, vector<16xi32>,
      %mul3A_112 = arith.constant 16 : i32
      %mul3A_113 = arith.muli %scan3A_107, %mul3A_112 : i32
      %get3A_114 = arith.index_cast %mul3A_113 : i32 to index
      %get3A_115 = tpu.vector_load %arg9[%get3A_114] {strides = array<i32>} : memref<8192xi32, #tpu.memory_space<vmem>>, vector<16xi32>,
      %sub3A_116 = vector.broadcast %mul3A_18 : i32 to vector<16xi32>
      %sub3A_117 = arith.subi %get3A_115, %sub3A_116 : vector<16xi32>
      %ge3A_118 = arith.constant 0 : i32
      %ge3A_119 = vector.broadcast %ge3A_118 : i32 to vector<16xi32>
      %ge3A_120 = arith.cmpi sge, %sub3A_117, %ge3A_119 : vector<16xi32>
      %lt3A_121 = arith.constant 16 : i32
      %lt3A_122 = vector.broadcast %lt3A_121 : i32 to vector<16xi32>
      %lt3A_123 = arith.cmpi slt, %sub3A_117, %lt3A_122 : vector<16xi32>
      %and3A_124 = arith.andi %ge3A_120, %lt3A_123 : vector<16xi1>
      %mul3A_125 = arith.constant 512 : i32
      %mul3A_126 = vector.broadcast %mul3A_125 : i32 to vector<16xi32>
      %mul3A_127 = arith.muli %sub3A_117, %mul3A_126 : vector<16xi32>
      %add3A_128 = arith.addi %mul3A_127, %get3A_111 : vector<16xi32>
      %jit3A_129 = arith.constant 0 : i32
      %broadcast_in_dim3A_130 = vector.broadcast %jit3A_129 : i32 to vector<16xi32>
      %select_n3A_131 = arith.select %and3A_124, %add3A_128, %broadcast_in_dim3A_130 : vector<16xi1>, vector<16xi32>
      tpu.vector_store_idx %arg12[%select_n3A_131], %broadcast_in_dim3A_35 masked %and3A_124 {add = true} : memref<8192xf32, #tpu.memory_space<vmem>>[vector<16xi32>], vector<16xf32>, vector<16xi1>
      %scan3A_132 = arith.constant 0 : i32
      %scan3A_133 = arith.constant 2 : i32
      %scan3A_134 = arith.addi %scan3A_86, %scan3A_133 : i32
      %mul3A_135 = arith.constant 16 : i32
      %mul3A_136 = arith.muli %scan3A_134, %mul3A_135 : i32
      %get3A_137 = arith.index_cast %mul3A_136 : i32 to index
      %get3A_138 = tpu.vector_load %arg8[%get3A_137] {strides = array<i32>} : memref<8192xi32, #tpu.memory_space<vmem>>, vector<16xi32>,
      %mul3A_139 = arith.constant 16 : i32
      %mul3A_140 = arith.muli %scan3A_134, %mul3A_139 : i32
      %get3A_141 = arith.index_cast %mul3A_140 : i32 to index
      %get3A_142 = tpu.vector_load %arg9[%get3A_141] {strides = array<i32>} : memref<8192xi32, #tpu.memory_space<vmem>>, vector<16xi32>,
      %sub3A_143 = vector.broadcast %mul3A_18 : i32 to vector<16xi32>
      %sub3A_144 = arith.subi %get3A_142, %sub3A_143 : vector<16xi32>
      %ge3A_145 = arith.constant 0 : i32
      %ge3A_146 = vector.broadcast %ge3A_145 : i32 to vector<16xi32>
      %ge3A_147 = arith.cmpi sge, %sub3A_144, %ge3A_146 : vector<16xi32>
      %lt3A_148 = arith.constant 16 : i32
      %lt3A_149 = vector.broadcast %lt3A_148 : i32 to vector<16xi32>
      %lt3A_150 = arith.cmpi slt, %sub3A_144, %lt3A_149 : vector<16xi32>
      %and3A_151 = arith.andi %ge3A_147, %lt3A_150 : vector<16xi1>
      %mul3A_152 = arith.constant 512 : i32
      %mul3A_153 = vector.broadcast %mul3A_152 : i32 to vector<16xi32>
      %mul3A_154 = arith.muli %sub3A_144, %mul3A_153 : vector<16xi32>
      %add3A_155 = arith.addi %mul3A_154, %get3A_138 : vector<16xi32>
      %jit3A_156 = arith.constant 0 : i32
      %broadcast_in_dim3A_157 = vector.broadcast %jit3A_156 : i32 to vector<16xi32>
      %select_n3A_158 = arith.select %and3A_151, %add3A_155, %broadcast_in_dim3A_157 : vector<16xi1>, vector<16xi32>
      tpu.vector_store_idx %arg12[%select_n3A_158], %broadcast_in_dim3A_35 masked %and3A_151 {add = true} : memref<8192xf32, #tpu.memory_space<vmem>>[vector<16xi32>], vector<16xf32>, vector<16xi1>
      %scan3A_159 = arith.constant 0 : i32
      %scan3A_160 = arith.constant 3 : i32
      %scan3A_161 = arith.addi %scan3A_86, %scan3A_160 : i32
      %mul3A_162 = arith.constant 16 : i32
      %mul3A_163 = arith.muli %scan3A_161, %mul3A_162 : i32
      %get3A_164 = arith.index_cast %mul3A_163 : i32 to index
      %get3A_165 = tpu.vector_load %arg8[%get3A_164] {strides = array<i32>} : memref<8192xi32, #tpu.memory_space<vmem>>, vector<16xi32>,
      %mul3A_166 = arith.constant 16 : i32
      %mul3A_167 = arith.muli %scan3A_161, %mul3A_166 : i32
      %get3A_168 = arith.index_cast %mul3A_167 : i32 to index
      %get3A_169 = tpu.vector_load %arg9[%get3A_168] {strides = array<i32>} : memref<8192xi32, #tpu.memory_space<vmem>>, vector<16xi32>,
      %sub3A_170 = vector.broadcast %mul3A_18 : i32 to vector<16xi32>
      %sub3A_171 = arith.subi %get3A_169, %sub3A_170 : vector<16xi32>
      %ge3A_172 = arith.constant 0 : i32
      %ge3A_173 = vector.broadcast %ge3A_172 : i32 to vector<16xi32>
      %ge3A_174 = arith.cmpi sge, %sub3A_171, %ge3A_173 : vector<16xi32>
      %lt3A_175 = arith.constant 16 : i32
      %lt3A_176 = vector.broadcast %lt3A_175 : i32 to vector<16xi32>
      %lt3A_177 = arith.cmpi slt, %sub3A_171, %lt3A_176 : vector<16xi32>
      %and3A_178 = arith.andi %ge3A_174, %lt3A_177 : vector<16xi1>
      %mul3A_179 = arith.constant 512 : i32
      %mul3A_180 = vector.broadcast %mul3A_179 : i32 to vector<16xi32>
      %mul3A_181 = arith.muli %sub3A_171, %mul3A_180 : vector<16xi32>
      %add3A_182 = arith.addi %mul3A_181, %get3A_165 : vector<16xi32>
      %jit3A_183 = arith.constant 0 : i32
      %broadcast_in_dim3A_184 = vector.broadcast %jit3A_183 : i32 to vector<16xi32>
      %select_n3A_185 = arith.select %and3A_178, %add3A_182, %broadcast_in_dim3A_184 : vector<16xi1>, vector<16xi32>
      tpu.vector_store_idx %arg12[%select_n3A_185], %broadcast_in_dim3A_35 masked %and3A_178 {add = true} : memref<8192xf32, #tpu.memory_space<vmem>>[vector<16xi32>], vector<16xf32>, vector<16xi1>
      %scan3A_186 = arith.constant 0 : i32
      scf.yield %scan3A_186 : i32
    }
    %scan3A_42 = arith.constant 512 : i32
    %mul3A_43 = arith.constant 512 : i32
    %mul3A_44 = arith.muli %mul3A_18, %mul3A_43 : i32
    "tpu.region"() ({
      %run_scoped3A = tpu.sem_alloc : memref<!tpu.dma_semaphore, #tpu.memory_space<semaphore_mem>>
      %dma_start3A = tpu.memref_slice %arg6[%mul3A_44] : memref<262144xf32, #tpu.memory_space<hbm>> -> memref<8192xf32, #tpu.memory_space<hbm>>
      %dma_start3A_86 = tpu.memref_slice %arg6[%mul3A_44] : memref<262144xf32, #tpu.memory_space<hbm>> -> memref<8192xf32, #tpu.memory_space<hbm>>
      tpu.enqueue_dma source(%arg12 : memref<8192xf32, #tpu.memory_space<vmem>>) target(%dma_start3A_86 : memref<8192xf32, #tpu.memory_space<hbm>>) target_semaphore(%run_scoped3A : memref<!tpu.dma_semaphore, #tpu.memory_space<semaphore_mem>>)
      %dma_wait3A = tpu.memref_slice %arg6[%mul3A_44] : memref<262144xf32, #tpu.memory_space<hbm>> -> memref<8192xf32, #tpu.memory_space<hbm>>
      %dma_wait3A_87 = tpu.memref_slice %arg6[%mul3A_44] : memref<262144xf32, #tpu.memory_space<hbm>> -> memref<8192xf32, #tpu.memory_space<hbm>>
      tpu.wait_dma2 semaphore(%run_scoped3A : memref<!tpu.dma_semaphore, #tpu.memory_space<semaphore_mem>>) src(%arg12 : memref<8192xf32, #tpu.memory_space<vmem>>) dst(%dma_wait3A_87 : memref<8192xf32, #tpu.memory_space<hbm>>)
      tpu.yield
    }) : () -> ()
    %mul3A_45 = arith.constant 32 : i32
    %mul3A_46 = arith.muli %add3A, %mul3A_45 : i32
    "tpu.region"() ({
      %run_scoped3A = tpu.sem_alloc : memref<!tpu.dma_semaphore, #tpu.memory_space<semaphore_mem>>
      tpu.enqueue_dma source(%arg16 : memref<16384xi32, #tpu.memory_space<vmem_shared>>) target(%arg10 : memref<16384xi32, #tpu.memory_space<vmem>>) target_semaphore(%run_scoped3A : memref<!tpu.dma_semaphore, #tpu.memory_space<semaphore_mem>>)
      tpu.wait_dma2 semaphore(%run_scoped3A : memref<!tpu.dma_semaphore, #tpu.memory_space<semaphore_mem>>) src(%arg16 : memref<16384xi32, #tpu.memory_space<vmem_shared>>) dst(%arg10 : memref<16384xi32, #tpu.memory_space<vmem>>)
      tpu.yield
    }) : () -> ()
    "tpu.region"() ({
      %run_scoped3A = tpu.sem_alloc : memref<!tpu.dma_semaphore, #tpu.memory_space<semaphore_mem>>
      tpu.enqueue_dma source(%arg17 : memref<16384xi32, #tpu.memory_space<vmem_shared>>) target(%arg11 : memref<16384xi32, #tpu.memory_space<vmem>>) target_semaphore(%run_scoped3A : memref<!tpu.dma_semaphore, #tpu.memory_space<semaphore_mem>>)
      tpu.wait_dma2 semaphore(%run_scoped3A : memref<!tpu.dma_semaphore, #tpu.memory_space<semaphore_mem>>) src(%arg17 : memref<16384xi32, #tpu.memory_space<vmem_shared>>) dst(%arg11 : memref<16384xi32, #tpu.memory_space<vmem>>)
      tpu.yield
    }) : () -> ()
    %scan3A_47 = arith.constant 0 : i32
    %scan3A_48 = arith.constant 0 : i32
    %scan3A_49 = arith.constant 2048 : i32
    %scan3A_50 = arith.addi %scan3A_48, %scan3A_49 : i32
    %scan3A_51 = arith.constant 8 : i32
    %scan3A_52 = scf.for %scan3A_86 = %scan3A_48 to %scan3A_50 step %scan3A_51 iter_args(%scan3A_87 = %scan3A_47) -> (i32)  : i32 {
      %broadcast_in_dim3A_88 = arith.constant 0.000000e+00 : f32
      %broadcast_in_dim3A_89 = vector.broadcast %broadcast_in_dim3A_88 : f32 to vector<16xf32>
      %mul3A_90 = arith.constant 16 : i32
      %mul3A_91 = arith.muli %scan3A_86, %mul3A_90 : i32
      %swap3A = arith.index_cast %mul3A_91 : i32 to index
      %swap3A_92 = tpu.vector_load %arg13[%swap3A] {strides = array<i32>} : memref<32768xf32, #tpu.memory_space<vmem>>, vector<16xf32>,
      tpu.vector_store %arg13[%swap3A], %broadcast_in_dim3A_89 {strides = array<i32>} : memref<32768xf32, #tpu.memory_space<vmem>>, vector<16xf32>,
      %scan3A_93 = arith.constant 0 : i32
      %scan3A_94 = arith.constant 1 : i32
      %scan3A_95 = arith.addi %scan3A_86, %scan3A_94 : i32
      %broadcast_in_dim3A_96 = arith.constant 0.000000e+00 : f32
      %broadcast_in_dim3A_97 = vector.broadcast %broadcast_in_dim3A_96 : f32 to vector<16xf32>
      %mul3A_98 = arith.constant 16 : i32
      %mul3A_99 = arith.muli %scan3A_95, %mul3A_98 : i32
      %swap3A_100 = arith.index_cast %mul3A_99 : i32 to index
      %swap3A_101 = tpu.vector_load %arg13[%swap3A_100] {strides = array<i32>} : memref<32768xf32, #tpu.memory_space<vmem>>, vector<16xf32>,
      tpu.vector_store %arg13[%swap3A_100], %broadcast_in_dim3A_97 {strides = array<i32>} : memref<32768xf32, #tpu.memory_space<vmem>>, vector<16xf32>,
      %scan3A_102 = arith.constant 0 : i32
      %scan3A_103 = arith.constant 2 : i32
      %scan3A_104 = arith.addi %scan3A_86, %scan3A_103 : i32
      %broadcast_in_dim3A_105 = arith.constant 0.000000e+00 : f32
      %broadcast_in_dim3A_106 = vector.broadcast %broadcast_in_dim3A_105 : f32 to vector<16xf32>
      %mul3A_107 = arith.constant 16 : i32
      %mul3A_108 = arith.muli %scan3A_104, %mul3A_107 : i32
      %swap3A_109 = arith.index_cast %mul3A_108 : i32 to index
      %swap3A_110 = tpu.vector_load %arg13[%swap3A_109] {strides = array<i32>} : memref<32768xf32, #tpu.memory_space<vmem>>, vector<16xf32>,
      tpu.vector_store %arg13[%swap3A_109], %broadcast_in_dim3A_106 {strides = array<i32>} : memref<32768xf32, #tpu.memory_space<vmem>>, vector<16xf32>,
      %scan3A_111 = arith.constant 0 : i32
      %scan3A_112 = arith.constant 3 : i32
      %scan3A_113 = arith.addi %scan3A_86, %scan3A_112 : i32
      %broadcast_in_dim3A_114 = arith.constant 0.000000e+00 : f32
      %broadcast_in_dim3A_115 = vector.broadcast %broadcast_in_dim3A_114 : f32 to vector<16xf32>
      %mul3A_116 = arith.constant 16 : i32
      %mul3A_117 = arith.muli %scan3A_113, %mul3A_116 : i32
      %swap3A_118 = arith.index_cast %mul3A_117 : i32 to index
      %swap3A_119 = tpu.vector_load %arg13[%swap3A_118] {strides = array<i32>} : memref<32768xf32, #tpu.memory_space<vmem>>, vector<16xf32>,
      tpu.vector_store %arg13[%swap3A_118], %broadcast_in_dim3A_115 {strides = array<i32>} : memref<32768xf32, #tpu.memory_space<vmem>>, vector<16xf32>,
      %scan3A_120 = arith.constant 0 : i32
      %scan3A_121 = arith.constant 4 : i32
      %scan3A_122 = arith.addi %scan3A_86, %scan3A_121 : i32
      %broadcast_in_dim3A_123 = arith.constant 0.000000e+00 : f32
      %broadcast_in_dim3A_124 = vector.broadcast %broadcast_in_dim3A_123 : f32 to vector<16xf32>
      %mul3A_125 = arith.constant 16 : i32
      %mul3A_126 = arith.muli %scan3A_122, %mul3A_125 : i32
      %swap3A_127 = arith.index_cast %mul3A_126 : i32 to index
      %swap3A_128 = tpu.vector_load %arg13[%swap3A_127] {strides = array<i32>} : memref<32768xf32, #tpu.memory_space<vmem>>, vector<16xf32>,
      tpu.vector_store %arg13[%swap3A_127], %broadcast_in_dim3A_124 {strides = array<i32>} : memref<32768xf32, #tpu.memory_space<vmem>>, vector<16xf32>,
      %scan3A_129 = arith.constant 0 : i32
      %scan3A_130 = arith.constant 5 : i32
      %scan3A_131 = arith.addi %scan3A_86, %scan3A_130 : i32
      %broadcast_in_dim3A_132 = arith.constant 0.000000e+00 : f32
      %broadcast_in_dim3A_133 = vector.broadcast %broadcast_in_dim3A_132 : f32 to vector<16xf32>
      %mul3A_134 = arith.constant 16 : i32
      %mul3A_135 = arith.muli %scan3A_131, %mul3A_134 : i32
      %swap3A_136 = arith.index_cast %mul3A_135 : i32 to index
      %swap3A_137 = tpu.vector_load %arg13[%swap3A_136] {strides = array<i32>} : memref<32768xf32, #tpu.memory_space<vmem>>, vector<16xf32>,
      tpu.vector_store %arg13[%swap3A_136], %broadcast_in_dim3A_133 {strides = array<i32>} : memref<32768xf32, #tpu.memory_space<vmem>>, vector<16xf32>,
      %scan3A_138 = arith.constant 0 : i32
      %scan3A_139 = arith.constant 6 : i32
      %scan3A_140 = arith.addi %scan3A_86, %scan3A_139 : i32
      %broadcast_in_dim3A_141 = arith.constant 0.000000e+00 : f32
      %broadcast_in_dim3A_142 = vector.broadcast %broadcast_in_dim3A_141 : f32 to vector<16xf32>
      %mul3A_143 = arith.constant 16 : i32
      %mul3A_144 = arith.muli %scan3A_140, %mul3A_143 : i32
      %swap3A_145 = arith.index_cast %mul3A_144 : i32 to index
      %swap3A_146 = tpu.vector_load %arg13[%swap3A_145] {strides = array<i32>} : memref<32768xf32, #tpu.memory_space<vmem>>, vector<16xf32>,
      tpu.vector_store %arg13[%swap3A_145], %broadcast_in_dim3A_142 {strides = array<i32>} : memref<32768xf32, #tpu.memory_space<vmem>>, vector<16xf32>,
      %scan3A_147 = arith.constant 0 : i32
      %scan3A_148 = arith.constant 7 : i32
      %scan3A_149 = arith.addi %scan3A_86, %scan3A_148 : i32
      %broadcast_in_dim3A_150 = arith.constant 0.000000e+00 : f32
      %broadcast_in_dim3A_151 = vector.broadcast %broadcast_in_dim3A_150 : f32 to vector<16xf32>
      %mul3A_152 = arith.constant 16 : i32
      %mul3A_153 = arith.muli %scan3A_149, %mul3A_152 : i32
      %swap3A_154 = arith.index_cast %mul3A_153 : i32 to index
      %swap3A_155 = tpu.vector_load %arg13[%swap3A_154] {strides = array<i32>} : memref<32768xf32, #tpu.memory_space<vmem>>, vector<16xf32>,
      tpu.vector_store %arg13[%swap3A_154], %broadcast_in_dim3A_151 {strides = array<i32>} : memref<32768xf32, #tpu.memory_space<vmem>>, vector<16xf32>,
      %scan3A_156 = arith.constant 0 : i32
      scf.yield %scan3A_156 : i32
    }
    %scan3A_53 = arith.constant 2048 : i32
    %iota3A_54 = tpu.iota {dimensions = array<i32: 0>} : vector<16xi32>
    %add3A_55 = arith.constant 0 : i32
    %add3A_56 = vector.broadcast %add3A_55 : i32 to vector<16xi32>
    %add3A_57 = arith.addi %add3A_56, %iota3A_54 : vector<16xi32>
    %mul3A_58 = arith.constant 1025 : i32
    %mul3A_59 = vector.broadcast %mul3A_58 : i32 to vector<16xi32>
    %mul3A_60 = arith.muli %add3A_57, %mul3A_59 : vector<16xi32>
    %add3A_61 = vector.broadcast %mul3A_46 : i32 to vector<16xi32>
    %add3A_62 = arith.addi %mul3A_60, %add3A_61 : vector<16xi32>
    %broadcast_in_dim3A_63 = arith.constant 1.000000e+00 : f32
    %broadcast_in_dim3A_64 = vector.broadcast %broadcast_in_dim3A_63 : f32 to vector<16xf32>
    tpu.vector_store_idx %arg13[%add3A_62], %broadcast_in_dim3A_64 : memref<32768xf32, #tpu.memory_space<vmem>>[vector<16xi32>], vector<16xf32>,
    %add3A_65 = arith.constant 16 : i32
    %add3A_66 = vector.broadcast %add3A_65 : i32 to vector<16xi32>
    %add3A_67 = arith.addi %add3A_66, %iota3A_54 : vector<16xi32>
    %mul3A_68 = arith.constant 1025 : i32
    %mul3A_69 = vector.broadcast %mul3A_68 : i32 to vector<16xi32>
    %mul3A_70 = arith.muli %add3A_67, %mul3A_69 : vector<16xi32>
    %add3A_71 = vector.broadcast %mul3A_46 : i32 to vector<16xi32>
    %add3A_72 = arith.addi %mul3A_70, %add3A_71 : vector<16xi32>
    %broadcast_in_dim3A_73 = arith.constant 1.000000e+00 : f32
    %broadcast_in_dim3A_74 = vector.broadcast %broadcast_in_dim3A_73 : f32 to vector<16xf32>
    tpu.vector_store_idx %arg13[%add3A_72], %broadcast_in_dim3A_74 : memref<32768xf32, #tpu.memory_space<vmem>>[vector<16xi32>], vector<16xf32>,
    %broadcast_in_dim3A_75 = arith.constant 1.000000e+00 : f32
    %broadcast_in_dim3A_76 = vector.broadcast %broadcast_in_dim3A_75 : f32 to vector<16xf32>
    %scan3A_77 = arith.constant 0 : i32
    %scan3A_78 = arith.constant 0 : i32
    %scan3A_79 = arith.constant 1024 : i32
    %scan3A_80 = arith.addi %scan3A_78, %scan3A_79 : i32
    %scan3A_81 = arith.constant 4 : i32
    %scan3A_82 = scf.for %scan3A_86 = %scan3A_78 to %scan3A_80 step %scan3A_81 iter_args(%scan3A_87 = %scan3A_77) -> (i32)  : i32 {
      %mul3A_88 = arith.constant 16 : i32
      %mul3A_89 = arith.muli %scan3A_86, %mul3A_88 : i32
      %get3A = arith.index_cast %mul3A_89 : i32 to index
      %get3A_90 = tpu.vector_load %arg10[%get3A] {strides = array<i32>} : memref<16384xi32, #tpu.memory_space<vmem>>, vector<16xi32>,
      %mul3A_91 = arith.constant 16 : i32
      %mul3A_92 = arith.muli %scan3A_86, %mul3A_91 : i32
      %get3A_93 = arith.index_cast %mul3A_92 : i32 to index
      %get3A_94 = tpu.vector_load %arg11[%get3A_93] {strides = array<i32>} : memref<16384xi32, #tpu.memory_space<vmem>>, vector<16xi32>,
      %sub3A = vector.broadcast %mul3A_46 : i32 to vector<16xi32>
      %sub3A_95 = arith.subi %get3A_94, %sub3A : vector<16xi32>
      %ge3A = arith.constant 0 : i32
      %ge3A_96 = vector.broadcast %ge3A : i32 to vector<16xi32>
      %ge3A_97 = arith.cmpi sge, %sub3A_95, %ge3A_96 : vector<16xi32>
      %lt3A = arith.constant 32 : i32
      %lt3A_98 = vector.broadcast %lt3A : i32 to vector<16xi32>
      %lt3A_99 = arith.cmpi slt, %sub3A_95, %lt3A_98 : vector<16xi32>
      %and3A = arith.andi %ge3A_97, %lt3A_99 : vector<16xi1>
      %mul3A_100 = arith.constant 1024 : i32
      %mul3A_101 = vector.broadcast %mul3A_100 : i32 to vector<16xi32>
      %mul3A_102 = arith.muli %sub3A_95, %mul3A_101 : vector<16xi32>
      %add3A_103 = arith.addi %mul3A_102, %get3A_90 : vector<16xi32>
      %jit3A = arith.constant 0 : i32
      %broadcast_in_dim3A_104 = vector.broadcast %jit3A : i32 to vector<16xi32>
      %select_n3A = arith.select %and3A, %add3A_103, %broadcast_in_dim3A_104 : vector<16xi1>, vector<16xi32>
      tpu.vector_store_idx %arg13[%select_n3A], %broadcast_in_dim3A_76 masked %and3A {add = true} : memref<32768xf32, #tpu.memory_space<vmem>>[vector<16xi32>], vector<16xf32>, vector<16xi1>
      %scan3A_105 = arith.constant 0 : i32
      %scan3A_106 = arith.constant 1 : i32
      %scan3A_107 = arith.addi %scan3A_86, %scan3A_106 : i32
      %mul3A_108 = arith.constant 16 : i32
      %mul3A_109 = arith.muli %scan3A_107, %mul3A_108 : i32
      %get3A_110 = arith.index_cast %mul3A_109 : i32 to index
      %get3A_111 = tpu.vector_load %arg10[%get3A_110] {strides = array<i32>} : memref<16384xi32, #tpu.memory_space<vmem>>, vector<16xi32>,
      %mul3A_112 = arith.constant 16 : i32
      %mul3A_113 = arith.muli %scan3A_107, %mul3A_112 : i32
      %get3A_114 = arith.index_cast %mul3A_113 : i32 to index
      %get3A_115 = tpu.vector_load %arg11[%get3A_114] {strides = array<i32>} : memref<16384xi32, #tpu.memory_space<vmem>>, vector<16xi32>,
      %sub3A_116 = vector.broadcast %mul3A_46 : i32 to vector<16xi32>
      %sub3A_117 = arith.subi %get3A_115, %sub3A_116 : vector<16xi32>
      %ge3A_118 = arith.constant 0 : i32
      %ge3A_119 = vector.broadcast %ge3A_118 : i32 to vector<16xi32>
      %ge3A_120 = arith.cmpi sge, %sub3A_117, %ge3A_119 : vector<16xi32>
      %lt3A_121 = arith.constant 32 : i32
      %lt3A_122 = vector.broadcast %lt3A_121 : i32 to vector<16xi32>
      %lt3A_123 = arith.cmpi slt, %sub3A_117, %lt3A_122 : vector<16xi32>
      %and3A_124 = arith.andi %ge3A_120, %lt3A_123 : vector<16xi1>
      %mul3A_125 = arith.constant 1024 : i32
      %mul3A_126 = vector.broadcast %mul3A_125 : i32 to vector<16xi32>
      %mul3A_127 = arith.muli %sub3A_117, %mul3A_126 : vector<16xi32>
      %add3A_128 = arith.addi %mul3A_127, %get3A_111 : vector<16xi32>
      %jit3A_129 = arith.constant 0 : i32
      %broadcast_in_dim3A_130 = vector.broadcast %jit3A_129 : i32 to vector<16xi32>
      %select_n3A_131 = arith.select %and3A_124, %add3A_128, %broadcast_in_dim3A_130 : vector<16xi1>, vector<16xi32>
      tpu.vector_store_idx %arg13[%select_n3A_131], %broadcast_in_dim3A_76 masked %and3A_124 {add = true} : memref<32768xf32, #tpu.memory_space<vmem>>[vector<16xi32>], vector<16xf32>, vector<16xi1>
      %scan3A_132 = arith.constant 0 : i32
      %scan3A_133 = arith.constant 2 : i32
      %scan3A_134 = arith.addi %scan3A_86, %scan3A_133 : i32
      %mul3A_135 = arith.constant 16 : i32
      %mul3A_136 = arith.muli %scan3A_134, %mul3A_135 : i32
      %get3A_137 = arith.index_cast %mul3A_136 : i32 to index
      %get3A_138 = tpu.vector_load %arg10[%get3A_137] {strides = array<i32>} : memref<16384xi32, #tpu.memory_space<vmem>>, vector<16xi32>,
      %mul3A_139 = arith.constant 16 : i32
      %mul3A_140 = arith.muli %scan3A_134, %mul3A_139 : i32
      %get3A_141 = arith.index_cast %mul3A_140 : i32 to index
      %get3A_142 = tpu.vector_load %arg11[%get3A_141] {strides = array<i32>} : memref<16384xi32, #tpu.memory_space<vmem>>, vector<16xi32>,
      %sub3A_143 = vector.broadcast %mul3A_46 : i32 to vector<16xi32>
      %sub3A_144 = arith.subi %get3A_142, %sub3A_143 : vector<16xi32>
      %ge3A_145 = arith.constant 0 : i32
      %ge3A_146 = vector.broadcast %ge3A_145 : i32 to vector<16xi32>
      %ge3A_147 = arith.cmpi sge, %sub3A_144, %ge3A_146 : vector<16xi32>
      %lt3A_148 = arith.constant 32 : i32
      %lt3A_149 = vector.broadcast %lt3A_148 : i32 to vector<16xi32>
      %lt3A_150 = arith.cmpi slt, %sub3A_144, %lt3A_149 : vector<16xi32>
      %and3A_151 = arith.andi %ge3A_147, %lt3A_150 : vector<16xi1>
      %mul3A_152 = arith.constant 1024 : i32
      %mul3A_153 = vector.broadcast %mul3A_152 : i32 to vector<16xi32>
      %mul3A_154 = arith.muli %sub3A_144, %mul3A_153 : vector<16xi32>
      %add3A_155 = arith.addi %mul3A_154, %get3A_138 : vector<16xi32>
      %jit3A_156 = arith.constant 0 : i32
      %broadcast_in_dim3A_157 = vector.broadcast %jit3A_156 : i32 to vector<16xi32>
      %select_n3A_158 = arith.select %and3A_151, %add3A_155, %broadcast_in_dim3A_157 : vector<16xi1>, vector<16xi32>
      tpu.vector_store_idx %arg13[%select_n3A_158], %broadcast_in_dim3A_76 masked %and3A_151 {add = true} : memref<32768xf32, #tpu.memory_space<vmem>>[vector<16xi32>], vector<16xf32>, vector<16xi1>
      %scan3A_159 = arith.constant 0 : i32
      %scan3A_160 = arith.constant 3 : i32
      %scan3A_161 = arith.addi %scan3A_86, %scan3A_160 : i32
      %mul3A_162 = arith.constant 16 : i32
      %mul3A_163 = arith.muli %scan3A_161, %mul3A_162 : i32
      %get3A_164 = arith.index_cast %mul3A_163 : i32 to index
      %get3A_165 = tpu.vector_load %arg10[%get3A_164] {strides = array<i32>} : memref<16384xi32, #tpu.memory_space<vmem>>, vector<16xi32>,
      %mul3A_166 = arith.constant 16 : i32
      %mul3A_167 = arith.muli %scan3A_161, %mul3A_166 : i32
      %get3A_168 = arith.index_cast %mul3A_167 : i32 to index
      %get3A_169 = tpu.vector_load %arg11[%get3A_168] {strides = array<i32>} : memref<16384xi32, #tpu.memory_space<vmem>>, vector<16xi32>,
      %sub3A_170 = vector.broadcast %mul3A_46 : i32 to vector<16xi32>
      %sub3A_171 = arith.subi %get3A_169, %sub3A_170 : vector<16xi32>
      %ge3A_172 = arith.constant 0 : i32
      %ge3A_173 = vector.broadcast %ge3A_172 : i32 to vector<16xi32>
      %ge3A_174 = arith.cmpi sge, %sub3A_171, %ge3A_173 : vector<16xi32>
      %lt3A_175 = arith.constant 32 : i32
      %lt3A_176 = vector.broadcast %lt3A_175 : i32 to vector<16xi32>
      %lt3A_177 = arith.cmpi slt, %sub3A_171, %lt3A_176 : vector<16xi32>
      %and3A_178 = arith.andi %ge3A_174, %lt3A_177 : vector<16xi1>
      %mul3A_179 = arith.constant 1024 : i32
      %mul3A_180 = vector.broadcast %mul3A_179 : i32 to vector<16xi32>
      %mul3A_181 = arith.muli %sub3A_171, %mul3A_180 : vector<16xi32>
      %add3A_182 = arith.addi %mul3A_181, %get3A_165 : vector<16xi32>
      %jit3A_183 = arith.constant 0 : i32
      %broadcast_in_dim3A_184 = vector.broadcast %jit3A_183 : i32 to vector<16xi32>
      %select_n3A_185 = arith.select %and3A_178, %add3A_182, %broadcast_in_dim3A_184 : vector<16xi1>, vector<16xi32>
      tpu.vector_store_idx %arg13[%select_n3A_185], %broadcast_in_dim3A_76 masked %and3A_178 {add = true} : memref<32768xf32, #tpu.memory_space<vmem>>[vector<16xi32>], vector<16xf32>, vector<16xi1>
      %scan3A_186 = arith.constant 0 : i32
      scf.yield %scan3A_186 : i32
    }
    %scan3A_83 = arith.constant 1024 : i32
    %mul3A_84 = arith.constant 1024 : i32
    %mul3A_85 = arith.muli %mul3A_46, %mul3A_84 : i32
    "tpu.region"() ({
      %run_scoped3A = tpu.sem_alloc : memref<!tpu.dma_semaphore, #tpu.memory_space<semaphore_mem>>
      %dma_start3A = tpu.memref_slice %arg7[%mul3A_85] : memref<1048576xf32, #tpu.memory_space<hbm>> -> memref<32768xf32, #tpu.memory_space<hbm>>
      %dma_start3A_86 = tpu.memref_slice %arg7[%mul3A_85] : memref<1048576xf32, #tpu.memory_space<hbm>> -> memref<32768xf32, #tpu.memory_space<hbm>>
      tpu.enqueue_dma source(%arg13 : memref<32768xf32, #tpu.memory_space<vmem>>) target(%dma_start3A_86 : memref<32768xf32, #tpu.memory_space<hbm>>) target_semaphore(%run_scoped3A : memref<!tpu.dma_semaphore, #tpu.memory_space<semaphore_mem>>)
      %dma_wait3A = tpu.memref_slice %arg7[%mul3A_85] : memref<1048576xf32, #tpu.memory_space<hbm>> -> memref<32768xf32, #tpu.memory_space<hbm>>
      %dma_wait3A_87 = tpu.memref_slice %arg7[%mul3A_85] : memref<1048576xf32, #tpu.memory_space<hbm>> -> memref<32768xf32, #tpu.memory_space<hbm>>
      tpu.wait_dma2 semaphore(%run_scoped3A : memref<!tpu.dma_semaphore, #tpu.memory_space<semaphore_mem>>) src(%arg13 : memref<32768xf32, #tpu.memory_space<vmem>>) dst(%dma_wait3A_87 : memref<32768xf32, #tpu.memory_space<hbm>>)
      tpu.yield
    }) : () -> ()
    return
  }
}

module attributes {stable_mosaic.version = 14 : i64} {
  func.func @_tc_body(%arg0: memref<512x512xbf16, #tpu.memory_space<vmem>>, %arg1: memref<1024x1024xbf16, #tpu.memory_space<vmem>>, %arg2: memref<8192x4xbf16, #tpu.memory_space<vmem>>, %arg3: memref<16384x5xbf16, #tpu.memory_space<vmem>>, %arg4: memref<16x8xf32, #tpu.memory_space<vmem>>, %arg5: memref<16x11xf32, #tpu.memory_space<vmem>>, %arg6: memref<4x150xbf16, #tpu.memory_space<vmem>>, %arg7: memref<1x150xf32, #tpu.memory_space<vmem>>, %arg8: memref<150x150xbf16, #tpu.memory_space<vmem>>, %arg9: memref<1x150xf32, #tpu.memory_space<vmem>>, %arg10: memref<150x150xbf16, #tpu.memory_space<vmem>>, %arg11: memref<1x150xf32, #tpu.memory_space<vmem>>, %arg12: memref<150x64xbf16, #tpu.memory_space<vmem>>, %arg13: memref<1x64xf32, #tpu.memory_space<vmem>>, %arg14: memref<5x150xbf16, #tpu.memory_space<vmem>>, %arg15: memref<1x150xf32, #tpu.memory_space<vmem>>, %arg16: memref<150x150xbf16, #tpu.memory_space<vmem>>, %arg17: memref<1x150xf32, #tpu.memory_space<vmem>>, %arg18: memref<150x150xbf16, #tpu.memory_space<vmem>>, %arg19: memref<1x150xf32, #tpu.memory_space<vmem>>, %arg20: memref<150x64xbf16, #tpu.memory_space<vmem>>, %arg21: memref<1x64xf32, #tpu.memory_space<vmem>>, %arg22: memref<136x128xf32, #tpu.memory_space<vmem>>, %arg23: memref<1x128xf32, #tpu.memory_space<vmem>>, %arg24: memref<128x128xf32, #tpu.memory_space<vmem>>, %arg25: memref<1x128xf32, #tpu.memory_space<vmem>>, %arg26: memref<128x64xf32, #tpu.memory_space<vmem>>, %arg27: memref<1x64xf32, #tpu.memory_space<vmem>>, %arg28: memref<64x11xf32, #tpu.memory_space<vmem>>, %arg29: memref<1x11xf32, #tpu.memory_space<vmem>>, %arg30: memref<16x136xf32, #tpu.memory_space<vmem>>, %arg31: memref<16x11xf32, #tpu.memory_space<vmem>>, %arg32: memref<16384x150xbf16, #tpu.memory_space<vmem>>) attributes {dimension_semantics = [], scalar_prefetch = 0 : i64, scratch_operands = 1 : i64, tpu.core_type = #tpu.core_type<tc>} {
    %broadcast_in_dim3A = arith.constant 1.000000e+00 : bf16
    %broadcast_in_dim3A_0 = vector.broadcast %broadcast_in_dim3A : bf16 to vector<512x1xbf16>
    %get3A = arith.constant 0 : index
    %get3A_1 = arith.constant 0 : index
    %get3A_2 = vector.load %arg0[%get3A, %get3A_1] : memref<512x512xbf16, #tpu.memory_space<vmem>>, vector<512x512xbf16>
    %dot_general3A = arith.constant dense<0.000000e+00> : vector<512x1xf32>
    %dot_general3A_3 = tpu.matmul %get3A_2, %broadcast_in_dim3A_0, %dot_general3A {dimension_numbers = #tpu.dot_dimension_numbers<[1], [0], [0], [1], [0, 0, 1, 1], [], []>, transpose_lhs_hint = false} : vector<512x512xbf16>, vector<512x1xbf16>, vector<512x1xf32> -> vector<512x1xf32>
    %rsqrt3A = math.rsqrt %dot_general3A_3 : vector<512x1xf32>
    %iota3A = tpu.iota {dimensions = array<i32: 0>} : vector<512x1xi32>
    %lt3A = arith.constant 500 : i32
    %lt3A_4 = vector.broadcast %lt3A : i32 to vector<512x1xi32>
    %lt3A_5 = arith.cmpi slt, %iota3A, %lt3A_4 : vector<512x1xi32>
    %jit3A = arith.constant 0.000000e+00 : f32
    %broadcast_in_dim3A_6 = vector.broadcast %jit3A : f32 to vector<512x1xf32>
    %select_n3A = arith.select %lt3A_5, %rsqrt3A, %broadcast_in_dim3A_6 : vector<512x1xi1>, vector<512x1xf32>
    %convert_element_type3A = arith.truncf %select_n3A : vector<512x1xf32> to vector<512x1xbf16>
    %convert_element_type3A_7 = arith.extf %convert_element_type3A : vector<512x1xbf16> to vector<512x1xf32>
    %sub3A = arith.subf %select_n3A, %convert_element_type3A_7 : vector<512x1xf32>
    %convert_element_type3A_8 = arith.truncf %sub3A : vector<512x1xf32> to vector<512x1xbf16>
    %get3A_9 = arith.constant 0 : index
    %get3A_10 = arith.constant 0 : index
    %get3A_11 = vector.load %arg0[%get3A_9, %get3A_10] : memref<512x512xbf16, #tpu.memory_space<vmem>>, vector<512x512xbf16>
    %dot_general3A_12 = arith.constant dense<0.000000e+00> : vector<1x512xf32>
    %dot_general3A_13 = tpu.matmul %convert_element_type3A, %get3A_11, %dot_general3A_12 {dimension_numbers = #tpu.dot_dimension_numbers<[0], [0], [1], [1], [0, 1, 1, 1], [], []>, transpose_lhs_hint = false} : vector<512x1xbf16>, vector<512x512xbf16>, vector<1x512xf32> -> vector<1x512xf32>
    %get3A_14 = arith.constant 0 : index
    %get3A_15 = arith.constant 0 : index
    %get3A_16 = vector.load %arg0[%get3A_14, %get3A_15] : memref<512x512xbf16, #tpu.memory_space<vmem>>, vector<512x512xbf16>
    %dot_general3A_17 = arith.constant dense<0.000000e+00> : vector<1x512xf32>
    %dot_general3A_18 = tpu.matmul %convert_element_type3A_8, %get3A_16, %dot_general3A_17 {dimension_numbers = #tpu.dot_dimension_numbers<[0], [0], [1], [1], [0, 1, 1, 1], [], []>, transpose_lhs_hint = false} : vector<512x1xbf16>, vector<512x512xbf16>, vector<1x512xf32> -> vector<1x512xf32>
    %add3A = arith.addf %dot_general3A_13, %dot_general3A_18 : vector<1x512xf32>
    %concatenate3A = tpu.concatenate %rsqrt3A, %rsqrt3A, %rsqrt3A, %rsqrt3A, %rsqrt3A, %rsqrt3A, %rsqrt3A, %rsqrt3A, %rsqrt3A, %rsqrt3A, %rsqrt3A, %rsqrt3A, %rsqrt3A, %rsqrt3A, %rsqrt3A, %rsqrt3A in 0 : vector<512x1xf32>, vector<512x1xf32>, vector<512x1xf32>, vector<512x1xf32>, vector<512x1xf32>, vector<512x1xf32>, vector<512x1xf32>, vector<512x1xf32>, vector<512x1xf32>, vector<512x1xf32>, vector<512x1xf32>, vector<512x1xf32>, vector<512x1xf32>, vector<512x1xf32>, vector<512x1xf32>, vector<512x1xf32> -> vector<8192x1xf32>
    %get3A_19 = arith.constant 0 : index
    %get3A_20 = arith.constant 0 : index
    %get3A_21 = vector.load %arg2[%get3A_19, %get3A_20] : memref<8192x4xbf16, #tpu.memory_space<vmem>>, vector<8192x4xbf16>
    %convert_element_type3A_22 = arith.extf %get3A_21 : vector<8192x4xbf16> to vector<8192x4xf32>
    %mul3A = vector.broadcast %concatenate3A : vector<8192x1xf32> to vector<8192x4xf32>
    %mul3A_23 = arith.mulf %convert_element_type3A_22, %mul3A : vector<8192x4xf32>
    %convert_element_type3A_24 = arith.truncf %mul3A_23 : vector<8192x4xf32> to vector<8192x4xbf16>
    %swap3A = arith.constant 0 : index
    %swap3A_25 = arith.constant 0 : index
    %swap3A_26 = vector.load %arg32[%swap3A, %swap3A_25] : memref<16384x150xbf16, #tpu.memory_space<vmem>>, vector<8192x4xbf16>
    tpu.vector_store %arg32[%swap3A, %swap3A_25], %convert_element_type3A_24 {strides = array<i32>} : memref<16384x150xbf16, #tpu.memory_space<vmem>>, vector<8192x4xbf16>,
    %get3A_27 = arith.constant 0 : index
    %get3A_28 = arith.constant 0 : index
    %get3A_29 = vector.load %arg6[%get3A_27, %get3A_28] : memref<4x150xbf16, #tpu.memory_space<vmem>>, vector<4x150xbf16>
    %get3A_30 = arith.constant 0 : index
    %get3A_31 = arith.constant 0 : index
    %get3A_32 = vector.load %arg7[%get3A_30, %get3A_31] : memref<1x150xf32, #tpu.memory_space<vmem>>, vector<1x150xf32>
    %scan3A = arith.constant 0 : i32
    %scan3A_33 = arith.constant 16 : i32
    %scan3A_34 = arith.addi %scan3A, %scan3A_33 : i32
    %scan3A_35 = arith.constant 1 : i32
    scf.for %scan3A_704 = %scan3A to %scan3A_34 step %scan3A_35  : i32 {
      %mul3A_705 = arith.constant 512 : i32
      %mul3A_706 = arith.muli %scan3A_704, %mul3A_705 : i32
      %get3A_707 = arith.index_cast %mul3A_706 : i32 to index
      %get3A_708 = arith.constant 0 : index
      %get3A_709 = vector.load %arg32[%get3A_707, %get3A_708] : memref<16384x150xbf16, #tpu.memory_space<vmem>>, vector<512x4xbf16>
      %dot_general3A_710 = arith.constant dense<0.000000e+00> : vector<512x150xf32>
      %dot_general3A_711 = tpu.matmul %get3A_709, %get3A_29, %dot_general3A_710 {dimension_numbers = #tpu.dot_dimension_numbers<[1], [0], [0], [1], [0, 0, 1, 1], [], []>, transpose_lhs_hint = false} : vector<512x4xbf16>, vector<4x150xbf16>, vector<512x150xf32> -> vector<512x150xf32>
      %convert_element_type3A_712 = arith.truncf %dot_general3A_711 : vector<512x150xf32> to vector<512x150xbf16>
      %get3A_713 = arith.constant 0 : index
      %get3A_714 = arith.constant 0 : index
      %get3A_715 = vector.load %arg0[%get3A_713, %get3A_714] : memref<512x512xbf16, #tpu.memory_space<vmem>>, vector<512x512xbf16>
      %dot_general3A_716 = arith.constant dense<0.000000e+00> : vector<512x150xf32>
      %dot_general3A_717 = tpu.matmul %get3A_715, %convert_element_type3A_712, %dot_general3A_716 {dimension_numbers = #tpu.dot_dimension_numbers<[1], [0], [0], [1], [0, 0, 1, 1], [], []>, transpose_lhs_hint = false} : vector<512x512xbf16>, vector<512x150xbf16>, vector<512x150xf32> -> vector<512x150xf32>
      %mul3A_718 = vector.broadcast %rsqrt3A : vector<512x1xf32> to vector<512x150xf32>
      %mul3A_719 = arith.mulf %dot_general3A_717, %mul3A_718 : vector<512x150xf32>
      %add3A_720 = vector.broadcast %get3A_32 : vector<1x150xf32> to vector<512x150xf32>
      %add3A_721 = arith.addf %mul3A_719, %add3A_720 : vector<512x150xf32>
      %ge3A = arith.constant 0.000000e+00 : f32
      %ge3A_722 = vector.broadcast %ge3A : f32 to vector<512x150xf32>
      %ge3A_723 = arith.cmpf oge, %add3A_721, %ge3A_722 : vector<512x150xf32>
      %mul3A_724 = arith.constant 1.000000e-01 : f32
      %mul3A_725 = vector.broadcast %mul3A_724 : f32 to vector<512x150xf32>
      %mul3A_726 = arith.mulf %mul3A_725, %add3A_721 : vector<512x150xf32>
      %select_n3A_727 = arith.select %ge3A_723, %add3A_721, %mul3A_726 : vector<512x150xi1>, vector<512x150xf32>
      %mul3A_728 = vector.broadcast %rsqrt3A : vector<512x1xf32> to vector<512x150xf32>
      %mul3A_729 = arith.mulf %select_n3A_727, %mul3A_728 : vector<512x150xf32>
      %convert_element_type3A_730 = arith.truncf %mul3A_729 : vector<512x150xf32> to vector<512x150xbf16>
      %swap3A_731 = arith.index_cast %mul3A_706 : i32 to index
      %swap3A_732 = arith.constant 0 : index
      %swap3A_733 = vector.load %arg32[%swap3A_731, %swap3A_732] : memref<16384x150xbf16, #tpu.memory_space<vmem>>, vector<512x150xbf16>
      tpu.vector_store %arg32[%swap3A_731, %swap3A_732], %convert_element_type3A_730 {strides = array<i32>} : memref<16384x150xbf16, #tpu.memory_space<vmem>>, vector<512x150xbf16>,
    }
    %scan3A_36 = arith.constant 16 : i32
    %get3A_37 = arith.constant 0 : index
    %get3A_38 = arith.constant 0 : index
    %get3A_39 = vector.load %arg8[%get3A_37, %get3A_38] : memref<150x150xbf16, #tpu.memory_space<vmem>>, vector<150x150xbf16>
    %get3A_40 = arith.constant 0 : index
    %get3A_41 = arith.constant 0 : index
    %get3A_42 = vector.load %arg9[%get3A_40, %get3A_41] : memref<1x150xf32, #tpu.memory_space<vmem>>, vector<1x150xf32>
    %scan3A_43 = arith.constant 0 : i32
    %scan3A_44 = arith.constant 16 : i32
    %scan3A_45 = arith.addi %scan3A_43, %scan3A_44 : i32
    %scan3A_46 = arith.constant 1 : i32
    scf.for %scan3A_704 = %scan3A_43 to %scan3A_45 step %scan3A_46  : i32 {
      %mul3A_705 = arith.constant 512 : i32
      %mul3A_706 = arith.muli %scan3A_704, %mul3A_705 : i32
      %get3A_707 = arith.index_cast %mul3A_706 : i32 to index
      %get3A_708 = arith.constant 0 : index
      %get3A_709 = vector.load %arg32[%get3A_707, %get3A_708] : memref<16384x150xbf16, #tpu.memory_space<vmem>>, vector<512x150xbf16>
      %dot_general3A_710 = arith.constant dense<0.000000e+00> : vector<512x150xf32>
      %dot_general3A_711 = tpu.matmul %get3A_709, %get3A_39, %dot_general3A_710 {dimension_numbers = #tpu.dot_dimension_numbers<[1], [0], [0], [1], [0, 0, 1, 1], [], []>, transpose_lhs_hint = false} : vector<512x150xbf16>, vector<150x150xbf16>, vector<512x150xf32> -> vector<512x150xf32>
      %convert_element_type3A_712 = arith.truncf %dot_general3A_711 : vector<512x150xf32> to vector<512x150xbf16>
      %get3A_713 = arith.constant 0 : index
      %get3A_714 = arith.constant 0 : index
      %get3A_715 = vector.load %arg0[%get3A_713, %get3A_714] : memref<512x512xbf16, #tpu.memory_space<vmem>>, vector<512x512xbf16>
      %dot_general3A_716 = arith.constant dense<0.000000e+00> : vector<512x150xf32>
      %dot_general3A_717 = tpu.matmul %get3A_715, %convert_element_type3A_712, %dot_general3A_716 {dimension_numbers = #tpu.dot_dimension_numbers<[1], [0], [0], [1], [0, 0, 1, 1], [], []>, transpose_lhs_hint = false} : vector<512x512xbf16>, vector<512x150xbf16>, vector<512x150xf32> -> vector<512x150xf32>
      %mul3A_718 = vector.broadcast %rsqrt3A : vector<512x1xf32> to vector<512x150xf32>
      %mul3A_719 = arith.mulf %dot_general3A_717, %mul3A_718 : vector<512x150xf32>
      %add3A_720 = vector.broadcast %get3A_42 : vector<1x150xf32> to vector<512x150xf32>
      %add3A_721 = arith.addf %mul3A_719, %add3A_720 : vector<512x150xf32>
      %ge3A = arith.constant 0.000000e+00 : f32
      %ge3A_722 = vector.broadcast %ge3A : f32 to vector<512x150xf32>
      %ge3A_723 = arith.cmpf oge, %add3A_721, %ge3A_722 : vector<512x150xf32>
      %mul3A_724 = arith.constant 1.000000e-01 : f32
      %mul3A_725 = vector.broadcast %mul3A_724 : f32 to vector<512x150xf32>
      %mul3A_726 = arith.mulf %mul3A_725, %add3A_721 : vector<512x150xf32>
      %select_n3A_727 = arith.select %ge3A_723, %add3A_721, %mul3A_726 : vector<512x150xi1>, vector<512x150xf32>
      %mul3A_728 = vector.broadcast %rsqrt3A : vector<512x1xf32> to vector<512x150xf32>
      %mul3A_729 = arith.mulf %select_n3A_727, %mul3A_728 : vector<512x150xf32>
      %convert_element_type3A_730 = arith.truncf %mul3A_729 : vector<512x150xf32> to vector<512x150xbf16>
      %swap3A_731 = arith.index_cast %mul3A_706 : i32 to index
      %swap3A_732 = arith.constant 0 : index
      %swap3A_733 = vector.load %arg32[%swap3A_731, %swap3A_732] : memref<16384x150xbf16, #tpu.memory_space<vmem>>, vector<512x150xbf16>
      tpu.vector_store %arg32[%swap3A_731, %swap3A_732], %convert_element_type3A_730 {strides = array<i32>} : memref<16384x150xbf16, #tpu.memory_space<vmem>>, vector<512x150xbf16>,
    }
    %scan3A_47 = arith.constant 16 : i32
    %get3A_48 = arith.constant 0 : index
    %get3A_49 = arith.constant 0 : index
    %get3A_50 = vector.load %arg10[%get3A_48, %get3A_49] : memref<150x150xbf16, #tpu.memory_space<vmem>>, vector<150x150xbf16>
    %get3A_51 = arith.constant 0 : index
    %get3A_52 = arith.constant 0 : index
    %get3A_53 = vector.load %arg11[%get3A_51, %get3A_52] : memref<1x150xf32, #tpu.memory_space<vmem>>, vector<1x150xf32>
    %scan3A_54 = arith.constant 0 : i32
    %scan3A_55 = arith.constant 16 : i32
    %scan3A_56 = arith.addi %scan3A_54, %scan3A_55 : i32
    %scan3A_57 = arith.constant 1 : i32
    scf.for %scan3A_704 = %scan3A_54 to %scan3A_56 step %scan3A_57  : i32 {
      %mul3A_705 = arith.constant 512 : i32
      %mul3A_706 = arith.muli %scan3A_704, %mul3A_705 : i32
      %get3A_707 = arith.index_cast %mul3A_706 : i32 to index
      %get3A_708 = arith.constant 0 : index
      %get3A_709 = vector.load %arg32[%get3A_707, %get3A_708] : memref<16384x150xbf16, #tpu.memory_space<vmem>>, vector<512x150xbf16>
      %dot_general3A_710 = arith.constant dense<0.000000e+00> : vector<512x150xf32>
      %dot_general3A_711 = tpu.matmul %get3A_709, %get3A_50, %dot_general3A_710 {dimension_numbers = #tpu.dot_dimension_numbers<[1], [0], [0], [1], [0, 0, 1, 1], [], []>, transpose_lhs_hint = false} : vector<512x150xbf16>, vector<150x150xbf16>, vector<512x150xf32> -> vector<512x150xf32>
      %convert_element_type3A_712 = arith.truncf %dot_general3A_711 : vector<512x150xf32> to vector<512x150xbf16>
      %get3A_713 = arith.constant 0 : index
      %get3A_714 = arith.constant 0 : index
      %get3A_715 = vector.load %arg0[%get3A_713, %get3A_714] : memref<512x512xbf16, #tpu.memory_space<vmem>>, vector<512x512xbf16>
      %dot_general3A_716 = arith.constant dense<0.000000e+00> : vector<512x150xf32>
      %dot_general3A_717 = tpu.matmul %get3A_715, %convert_element_type3A_712, %dot_general3A_716 {dimension_numbers = #tpu.dot_dimension_numbers<[1], [0], [0], [1], [0, 0, 1, 1], [], []>, transpose_lhs_hint = false} : vector<512x512xbf16>, vector<512x150xbf16>, vector<512x150xf32> -> vector<512x150xf32>
      %mul3A_718 = vector.broadcast %rsqrt3A : vector<512x1xf32> to vector<512x150xf32>
      %mul3A_719 = arith.mulf %dot_general3A_717, %mul3A_718 : vector<512x150xf32>
      %add3A_720 = vector.broadcast %get3A_53 : vector<1x150xf32> to vector<512x150xf32>
      %add3A_721 = arith.addf %mul3A_719, %add3A_720 : vector<512x150xf32>
      %ge3A = arith.constant 0.000000e+00 : f32
      %ge3A_722 = vector.broadcast %ge3A : f32 to vector<512x150xf32>
      %ge3A_723 = arith.cmpf oge, %add3A_721, %ge3A_722 : vector<512x150xf32>
      %mul3A_724 = arith.constant 1.000000e-01 : f32
      %mul3A_725 = vector.broadcast %mul3A_724 : f32 to vector<512x150xf32>
      %mul3A_726 = arith.mulf %mul3A_725, %add3A_721 : vector<512x150xf32>
      %select_n3A_727 = arith.select %ge3A_723, %add3A_721, %mul3A_726 : vector<512x150xi1>, vector<512x150xf32>
      %mul3A_728 = vector.broadcast %rsqrt3A : vector<512x1xf32> to vector<512x150xf32>
      %mul3A_729 = arith.mulf %select_n3A_727, %mul3A_728 : vector<512x150xf32>
      %convert_element_type3A_730 = arith.truncf %mul3A_729 : vector<512x150xf32> to vector<512x150xbf16>
      %swap3A_731 = arith.index_cast %mul3A_706 : i32 to index
      %swap3A_732 = arith.constant 0 : index
      %swap3A_733 = vector.load %arg32[%swap3A_731, %swap3A_732] : memref<16384x150xbf16, #tpu.memory_space<vmem>>, vector<512x150xbf16>
      tpu.vector_store %arg32[%swap3A_731, %swap3A_732], %convert_element_type3A_730 {strides = array<i32>} : memref<16384x150xbf16, #tpu.memory_space<vmem>>, vector<512x150xbf16>,
    }
    %scan3A_58 = arith.constant 16 : i32
    %get3A_59 = arith.constant 0 : index
    %get3A_60 = arith.constant 0 : index
    %get3A_61 = vector.load %arg12[%get3A_59, %get3A_60] : memref<150x64xbf16, #tpu.memory_space<vmem>>, vector<150x64xbf16>
    %get3A_62 = arith.constant 0 : index
    %get3A_63 = arith.constant 0 : index
    %get3A_64 = vector.load %arg13[%get3A_62, %get3A_63] : memref<1x64xf32, #tpu.memory_space<vmem>>, vector<1x64xf32>
    %convert_element_type3A_65 = arith.truncf %add3A : vector<1x512xf32> to vector<1x512xbf16>
    %convert_element_type3A_66 = arith.extf %convert_element_type3A_65 : vector<1x512xbf16> to vector<1x512xf32>
    %sub3A_67 = arith.subf %add3A, %convert_element_type3A_66 : vector<1x512xf32>
    %convert_element_type3A_68 = arith.truncf %sub3A_67 : vector<1x512xf32> to vector<1x512xbf16>
    %get3A_69 = arith.constant 0 : index
    %get3A_70 = arith.constant 0 : index
    %get3A_71 = vector.load %arg32[%get3A_69, %get3A_70] : memref<16384x150xbf16, #tpu.memory_space<vmem>>, vector<512x150xbf16>
    %dot_general3A_72 = arith.constant dense<0.000000e+00> : vector<512x64xf32>
    %dot_general3A_73 = tpu.matmul %get3A_71, %get3A_61, %dot_general3A_72 {dimension_numbers = #tpu.dot_dimension_numbers<[1], [0], [0], [1], [0, 0, 1, 1], [], []>, transpose_lhs_hint = false} : vector<512x150xbf16>, vector<150x64xbf16>, vector<512x64xf32> -> vector<512x64xf32>
    %convert_element_type3A_74 = arith.truncf %dot_general3A_73 : vector<512x64xf32> to vector<512x64xbf16>
    %dot_general3A_75 = arith.constant dense<0.000000e+00> : vector<1x64xf32>
    %dot_general3A_76 = tpu.matmul %convert_element_type3A_65, %convert_element_type3A_74, %dot_general3A_75 {dimension_numbers = #tpu.dot_dimension_numbers<[1], [0], [0], [1], [0, 0, 1, 1], [], []>, transpose_lhs_hint = false} : vector<1x512xbf16>, vector<512x64xbf16>, vector<1x64xf32> -> vector<1x64xf32>
    %dot_general3A_77 = arith.constant dense<0.000000e+00> : vector<1x64xf32>
    %dot_general3A_78 = tpu.matmul %convert_element_type3A_68, %convert_element_type3A_74, %dot_general3A_77 {dimension_numbers = #tpu.dot_dimension_numbers<[1], [0], [0], [1], [0, 0, 1, 1], [], []>, transpose_lhs_hint = false} : vector<1x512xbf16>, vector<512x64xbf16>, vector<1x64xf32> -> vector<1x64xf32>
    %add3A_79 = arith.addf %dot_general3A_76, %dot_general3A_78 : vector<1x64xf32>
    %mul3A_80 = arith.constant 2.000000e-03 : f32
    %mul3A_81 = vector.broadcast %mul3A_80 : f32 to vector<1x64xf32>
    %mul3A_82 = arith.mulf %add3A_79, %mul3A_81 : vector<1x64xf32>
    %add3A_83 = arith.addf %mul3A_82, %get3A_64 : vector<1x64xf32>
    %get3A_84 = arith.constant 512 : index
    %get3A_85 = arith.constant 0 : index
    %get3A_86 = vector.load %arg32[%get3A_84, %get3A_85] : memref<16384x150xbf16, #tpu.memory_space<vmem>>, vector<512x150xbf16>
    %dot_general3A_87 = arith.constant dense<0.000000e+00> : vector<512x64xf32>
    %dot_general3A_88 = tpu.matmul %get3A_86, %get3A_61, %dot_general3A_87 {dimension_numbers = #tpu.dot_dimension_numbers<[1], [0], [0], [1], [0, 0, 1, 1], [], []>, transpose_lhs_hint = false} : vector<512x150xbf16>, vector<150x64xbf16>, vector<512x64xf32> -> vector<512x64xf32>
    %convert_element_type3A_89 = arith.truncf %dot_general3A_88 : vector<512x64xf32> to vector<512x64xbf16>
    %dot_general3A_90 = arith.constant dense<0.000000e+00> : vector<1x64xf32>
    %dot_general3A_91 = tpu.matmul %convert_element_type3A_65, %convert_element_type3A_89, %dot_general3A_90 {dimension_numbers = #tpu.dot_dimension_numbers<[1], [0], [0], [1], [0, 0, 1, 1], [], []>, transpose_lhs_hint = false} : vector<1x512xbf16>, vector<512x64xbf16>, vector<1x64xf32> -> vector<1x64xf32>
    %dot_general3A_92 = arith.constant dense<0.000000e+00> : vector<1x64xf32>
    %dot_general3A_93 = tpu.matmul %convert_element_type3A_68, %convert_element_type3A_89, %dot_general3A_92 {dimension_numbers = #tpu.dot_dimension_numbers<[1], [0], [0], [1], [0, 0, 1, 1], [], []>, transpose_lhs_hint = false} : vector<1x512xbf16>, vector<512x64xbf16>, vector<1x64xf32> -> vector<1x64xf32>
    %add3A_94 = arith.addf %dot_general3A_91, %dot_general3A_93 : vector<1x64xf32>
    %mul3A_95 = arith.constant 2.000000e-03 : f32
    %mul3A_96 = vector.broadcast %mul3A_95 : f32 to vector<1x64xf32>
    %mul3A_97 = arith.mulf %add3A_94, %mul3A_96 : vector<1x64xf32>
    %add3A_98 = arith.addf %mul3A_97, %get3A_64 : vector<1x64xf32>
    %get3A_99 = arith.constant 1024 : index
    %get3A_100 = arith.constant 0 : index
    %get3A_101 = vector.load %arg32[%get3A_99, %get3A_100] : memref<16384x150xbf16, #tpu.memory_space<vmem>>, vector<512x150xbf16>
    %dot_general3A_102 = arith.constant dense<0.000000e+00> : vector<512x64xf32>
    %dot_general3A_103 = tpu.matmul %get3A_101, %get3A_61, %dot_general3A_102 {dimension_numbers = #tpu.dot_dimension_numbers<[1], [0], [0], [1], [0, 0, 1, 1], [], []>, transpose_lhs_hint = false} : vector<512x150xbf16>, vector<150x64xbf16>, vector<512x64xf32> -> vector<512x64xf32>
    %convert_element_type3A_104 = arith.truncf %dot_general3A_103 : vector<512x64xf32> to vector<512x64xbf16>
    %dot_general3A_105 = arith.constant dense<0.000000e+00> : vector<1x64xf32>
    %dot_general3A_106 = tpu.matmul %convert_element_type3A_65, %convert_element_type3A_104, %dot_general3A_105 {dimension_numbers = #tpu.dot_dimension_numbers<[1], [0], [0], [1], [0, 0, 1, 1], [], []>, transpose_lhs_hint = false} : vector<1x512xbf16>, vector<512x64xbf16>, vector<1x64xf32> -> vector<1x64xf32>
    %dot_general3A_107 = arith.constant dense<0.000000e+00> : vector<1x64xf32>
    %dot_general3A_108 = tpu.matmul %convert_element_type3A_68, %convert_element_type3A_104, %dot_general3A_107 {dimension_numbers = #tpu.dot_dimension_numbers<[1], [0], [0], [1], [0, 0, 1, 1], [], []>, transpose_lhs_hint = false} : vector<1x512xbf16>, vector<512x64xbf16>, vector<1x64xf32> -> vector<1x64xf32>
    %add3A_109 = arith.addf %dot_general3A_106, %dot_general3A_108 : vector<1x64xf32>
    %mul3A_110 = arith.constant 2.000000e-03 : f32
    %mul3A_111 = vector.broadcast %mul3A_110 : f32 to vector<1x64xf32>
    %mul3A_112 = arith.mulf %add3A_109, %mul3A_111 : vector<1x64xf32>
    %add3A_113 = arith.addf %mul3A_112, %get3A_64 : vector<1x64xf32>
    %get3A_114 = arith.constant 1536 : index
    %get3A_115 = arith.constant 0 : index
    %get3A_116 = vector.load %arg32[%get3A_114, %get3A_115] : memref<16384x150xbf16, #tpu.memory_space<vmem>>, vector<512x150xbf16>
    %dot_general3A_117 = arith.constant dense<0.000000e+00> : vector<512x64xf32>
    %dot_general3A_118 = tpu.matmul %get3A_116, %get3A_61, %dot_general3A_117 {dimension_numbers = #tpu.dot_dimension_numbers<[1], [0], [0], [1], [0, 0, 1, 1], [], []>, transpose_lhs_hint = false} : vector<512x150xbf16>, vector<150x64xbf16>, vector<512x64xf32> -> vector<512x64xf32>
    %convert_element_type3A_119 = arith.truncf %dot_general3A_118 : vector<512x64xf32> to vector<512x64xbf16>
    %dot_general3A_120 = arith.constant dense<0.000000e+00> : vector<1x64xf32>
    %dot_general3A_121 = tpu.matmul %convert_element_type3A_65, %convert_element_type3A_119, %dot_general3A_120 {dimension_numbers = #tpu.dot_dimension_numbers<[1], [0], [0], [1], [0, 0, 1, 1], [], []>, transpose_lhs_hint = false} : vector<1x512xbf16>, vector<512x64xbf16>, vector<1x64xf32> -> vector<1x64xf32>
    %dot_general3A_122 = arith.constant dense<0.000000e+00> : vector<1x64xf32>
    %dot_general3A_123 = tpu.matmul %convert_element_type3A_68, %convert_element_type3A_119, %dot_general3A_122 {dimension_numbers = #tpu.dot_dimension_numbers<[1], [0], [0], [1], [0, 0, 1, 1], [], []>, transpose_lhs_hint = false} : vector<1x512xbf16>, vector<512x64xbf16>, vector<1x64xf32> -> vector<1x64xf32>
    %add3A_124 = arith.addf %dot_general3A_121, %dot_general3A_123 : vector<1x64xf32>
    %mul3A_125 = arith.constant 2.000000e-03 : f32
    %mul3A_126 = vector.broadcast %mul3A_125 : f32 to vector<1x64xf32>
    %mul3A_127 = arith.mulf %add3A_124, %mul3A_126 : vector<1x64xf32>
    %add3A_128 = arith.addf %mul3A_127, %get3A_64 : vector<1x64xf32>
    %get3A_129 = arith.constant 2048 : index
    %get3A_130 = arith.constant 0 : index
    %get3A_131 = vector.load %arg32[%get3A_129, %get3A_130] : memref<16384x150xbf16, #tpu.memory_space<vmem>>, vector<512x150xbf16>
    %dot_general3A_132 = arith.constant dense<0.000000e+00> : vector<512x64xf32>
    %dot_general3A_133 = tpu.matmul %get3A_131, %get3A_61, %dot_general3A_132 {dimension_numbers = #tpu.dot_dimension_numbers<[1], [0], [0], [1], [0, 0, 1, 1], [], []>, transpose_lhs_hint = false} : vector<512x150xbf16>, vector<150x64xbf16>, vector<512x64xf32> -> vector<512x64xf32>
    %convert_element_type3A_134 = arith.truncf %dot_general3A_133 : vector<512x64xf32> to vector<512x64xbf16>
    %dot_general3A_135 = arith.constant dense<0.000000e+00> : vector<1x64xf32>
    %dot_general3A_136 = tpu.matmul %convert_element_type3A_65, %convert_element_type3A_134, %dot_general3A_135 {dimension_numbers = #tpu.dot_dimension_numbers<[1], [0], [0], [1], [0, 0, 1, 1], [], []>, transpose_lhs_hint = false} : vector<1x512xbf16>, vector<512x64xbf16>, vector<1x64xf32> -> vector<1x64xf32>
    %dot_general3A_137 = arith.constant dense<0.000000e+00> : vector<1x64xf32>
    %dot_general3A_138 = tpu.matmul %convert_element_type3A_68, %convert_element_type3A_134, %dot_general3A_137 {dimension_numbers = #tpu.dot_dimension_numbers<[1], [0], [0], [1], [0, 0, 1, 1], [], []>, transpose_lhs_hint = false} : vector<1x512xbf16>, vector<512x64xbf16>, vector<1x64xf32> -> vector<1x64xf32>
    %add3A_139 = arith.addf %dot_general3A_136, %dot_general3A_138 : vector<1x64xf32>
    %mul3A_140 = arith.constant 2.000000e-03 : f32
    %mul3A_141 = vector.broadcast %mul3A_140 : f32 to vector<1x64xf32>
    %mul3A_142 = arith.mulf %add3A_139, %mul3A_141 : vector<1x64xf32>
    %add3A_143 = arith.addf %mul3A_142, %get3A_64 : vector<1x64xf32>
    %get3A_144 = arith.constant 2560 : index
    %get3A_145 = arith.constant 0 : index
    %get3A_146 = vector.load %arg32[%get3A_144, %get3A_145] : memref<16384x150xbf16, #tpu.memory_space<vmem>>, vector<512x150xbf16>
    %dot_general3A_147 = arith.constant dense<0.000000e+00> : vector<512x64xf32>
    %dot_general3A_148 = tpu.matmul %get3A_146, %get3A_61, %dot_general3A_147 {dimension_numbers = #tpu.dot_dimension_numbers<[1], [0], [0], [1], [0, 0, 1, 1], [], []>, transpose_lhs_hint = false} : vector<512x150xbf16>, vector<150x64xbf16>, vector<512x64xf32> -> vector<512x64xf32>
    %convert_element_type3A_149 = arith.truncf %dot_general3A_148 : vector<512x64xf32> to vector<512x64xbf16>
    %dot_general3A_150 = arith.constant dense<0.000000e+00> : vector<1x64xf32>
    %dot_general3A_151 = tpu.matmul %convert_element_type3A_65, %convert_element_type3A_149, %dot_general3A_150 {dimension_numbers = #tpu.dot_dimension_numbers<[1], [0], [0], [1], [0, 0, 1, 1], [], []>, transpose_lhs_hint = false} : vector<1x512xbf16>, vector<512x64xbf16>, vector<1x64xf32> -> vector<1x64xf32>
    %dot_general3A_152 = arith.constant dense<0.000000e+00> : vector<1x64xf32>
    %dot_general3A_153 = tpu.matmul %convert_element_type3A_68, %convert_element_type3A_149, %dot_general3A_152 {dimension_numbers = #tpu.dot_dimension_numbers<[1], [0], [0], [1], [0, 0, 1, 1], [], []>, transpose_lhs_hint = false} : vector<1x512xbf16>, vector<512x64xbf16>, vector<1x64xf32> -> vector<1x64xf32>
    %add3A_154 = arith.addf %dot_general3A_151, %dot_general3A_153 : vector<1x64xf32>
    %mul3A_155 = arith.constant 2.000000e-03 : f32
    %mul3A_156 = vector.broadcast %mul3A_155 : f32 to vector<1x64xf32>
    %mul3A_157 = arith.mulf %add3A_154, %mul3A_156 : vector<1x64xf32>
    %add3A_158 = arith.addf %mul3A_157, %get3A_64 : vector<1x64xf32>
    %get3A_159 = arith.constant 3072 : index
    %get3A_160 = arith.constant 0 : index
    %get3A_161 = vector.load %arg32[%get3A_159, %get3A_160] : memref<16384x150xbf16, #tpu.memory_space<vmem>>, vector<512x150xbf16>
    %dot_general3A_162 = arith.constant dense<0.000000e+00> : vector<512x64xf32>
    %dot_general3A_163 = tpu.matmul %get3A_161, %get3A_61, %dot_general3A_162 {dimension_numbers = #tpu.dot_dimension_numbers<[1], [0], [0], [1], [0, 0, 1, 1], [], []>, transpose_lhs_hint = false} : vector<512x150xbf16>, vector<150x64xbf16>, vector<512x64xf32> -> vector<512x64xf32>
    %convert_element_type3A_164 = arith.truncf %dot_general3A_163 : vector<512x64xf32> to vector<512x64xbf16>
    %dot_general3A_165 = arith.constant dense<0.000000e+00> : vector<1x64xf32>
    %dot_general3A_166 = tpu.matmul %convert_element_type3A_65, %convert_element_type3A_164, %dot_general3A_165 {dimension_numbers = #tpu.dot_dimension_numbers<[1], [0], [0], [1], [0, 0, 1, 1], [], []>, transpose_lhs_hint = false} : vector<1x512xbf16>, vector<512x64xbf16>, vector<1x64xf32> -> vector<1x64xf32>
    %dot_general3A_167 = arith.constant dense<0.000000e+00> : vector<1x64xf32>
    %dot_general3A_168 = tpu.matmul %convert_element_type3A_68, %convert_element_type3A_164, %dot_general3A_167 {dimension_numbers = #tpu.dot_dimension_numbers<[1], [0], [0], [1], [0, 0, 1, 1], [], []>, transpose_lhs_hint = false} : vector<1x512xbf16>, vector<512x64xbf16>, vector<1x64xf32> -> vector<1x64xf32>
    %add3A_169 = arith.addf %dot_general3A_166, %dot_general3A_168 : vector<1x64xf32>
    %mul3A_170 = arith.constant 2.000000e-03 : f32
    %mul3A_171 = vector.broadcast %mul3A_170 : f32 to vector<1x64xf32>
    %mul3A_172 = arith.mulf %add3A_169, %mul3A_171 : vector<1x64xf32>
    %add3A_173 = arith.addf %mul3A_172, %get3A_64 : vector<1x64xf32>
    %get3A_174 = arith.constant 3584 : index
    %get3A_175 = arith.constant 0 : index
    %get3A_176 = vector.load %arg32[%get3A_174, %get3A_175] : memref<16384x150xbf16, #tpu.memory_space<vmem>>, vector<512x150xbf16>
    %dot_general3A_177 = arith.constant dense<0.000000e+00> : vector<512x64xf32>
    %dot_general3A_178 = tpu.matmul %get3A_176, %get3A_61, %dot_general3A_177 {dimension_numbers = #tpu.dot_dimension_numbers<[1], [0], [0], [1], [0, 0, 1, 1], [], []>, transpose_lhs_hint = false} : vector<512x150xbf16>, vector<150x64xbf16>, vector<512x64xf32> -> vector<512x64xf32>
    %convert_element_type3A_179 = arith.truncf %dot_general3A_178 : vector<512x64xf32> to vector<512x64xbf16>
    %dot_general3A_180 = arith.constant dense<0.000000e+00> : vector<1x64xf32>
    %dot_general3A_181 = tpu.matmul %convert_element_type3A_65, %convert_element_type3A_179, %dot_general3A_180 {dimension_numbers = #tpu.dot_dimension_numbers<[1], [0], [0], [1], [0, 0, 1, 1], [], []>, transpose_lhs_hint = false} : vector<1x512xbf16>, vector<512x64xbf16>, vector<1x64xf32> -> vector<1x64xf32>
    %dot_general3A_182 = arith.constant dense<0.000000e+00> : vector<1x64xf32>
    %dot_general3A_183 = tpu.matmul %convert_element_type3A_68, %convert_element_type3A_179, %dot_general3A_182 {dimension_numbers = #tpu.dot_dimension_numbers<[1], [0], [0], [1], [0, 0, 1, 1], [], []>, transpose_lhs_hint = false} : vector<1x512xbf16>, vector<512x64xbf16>, vector<1x64xf32> -> vector<1x64xf32>
    %add3A_184 = arith.addf %dot_general3A_181, %dot_general3A_183 : vector<1x64xf32>
    %mul3A_185 = arith.constant 2.000000e-03 : f32
    %mul3A_186 = vector.broadcast %mul3A_185 : f32 to vector<1x64xf32>
    %mul3A_187 = arith.mulf %add3A_184, %mul3A_186 : vector<1x64xf32>
    %add3A_188 = arith.addf %mul3A_187, %get3A_64 : vector<1x64xf32>
    %get3A_189 = arith.constant 4096 : index
    %get3A_190 = arith.constant 0 : index
    %get3A_191 = vector.load %arg32[%get3A_189, %get3A_190] : memref<16384x150xbf16, #tpu.memory_space<vmem>>, vector<512x150xbf16>
    %dot_general3A_192 = arith.constant dense<0.000000e+00> : vector<512x64xf32>
    %dot_general3A_193 = tpu.matmul %get3A_191, %get3A_61, %dot_general3A_192 {dimension_numbers = #tpu.dot_dimension_numbers<[1], [0], [0], [1], [0, 0, 1, 1], [], []>, transpose_lhs_hint = false} : vector<512x150xbf16>, vector<150x64xbf16>, vector<512x64xf32> -> vector<512x64xf32>
    %convert_element_type3A_194 = arith.truncf %dot_general3A_193 : vector<512x64xf32> to vector<512x64xbf16>
    %dot_general3A_195 = arith.constant dense<0.000000e+00> : vector<1x64xf32>
    %dot_general3A_196 = tpu.matmul %convert_element_type3A_65, %convert_element_type3A_194, %dot_general3A_195 {dimension_numbers = #tpu.dot_dimension_numbers<[1], [0], [0], [1], [0, 0, 1, 1], [], []>, transpose_lhs_hint = false} : vector<1x512xbf16>, vector<512x64xbf16>, vector<1x64xf32> -> vector<1x64xf32>
    %dot_general3A_197 = arith.constant dense<0.000000e+00> : vector<1x64xf32>
    %dot_general3A_198 = tpu.matmul %convert_element_type3A_68, %convert_element_type3A_194, %dot_general3A_197 {dimension_numbers = #tpu.dot_dimension_numbers<[1], [0], [0], [1], [0, 0, 1, 1], [], []>, transpose_lhs_hint = false} : vector<1x512xbf16>, vector<512x64xbf16>, vector<1x64xf32> -> vector<1x64xf32>
    %add3A_199 = arith.addf %dot_general3A_196, %dot_general3A_198 : vector<1x64xf32>
    %mul3A_200 = arith.constant 2.000000e-03 : f32
    %mul3A_201 = vector.broadcast %mul3A_200 : f32 to vector<1x64xf32>
    %mul3A_202 = arith.mulf %add3A_199, %mul3A_201 : vector<1x64xf32>
    %add3A_203 = arith.addf %mul3A_202, %get3A_64 : vector<1x64xf32>
    %get3A_204 = arith.constant 4608 : index
    %get3A_205 = arith.constant 0 : index
    %get3A_206 = vector.load %arg32[%get3A_204, %get3A_205] : memref<16384x150xbf16, #tpu.memory_space<vmem>>, vector<512x150xbf16>
    %dot_general3A_207 = arith.constant dense<0.000000e+00> : vector<512x64xf32>
    %dot_general3A_208 = tpu.matmul %get3A_206, %get3A_61, %dot_general3A_207 {dimension_numbers = #tpu.dot_dimension_numbers<[1], [0], [0], [1], [0, 0, 1, 1], [], []>, transpose_lhs_hint = false} : vector<512x150xbf16>, vector<150x64xbf16>, vector<512x64xf32> -> vector<512x64xf32>
    %convert_element_type3A_209 = arith.truncf %dot_general3A_208 : vector<512x64xf32> to vector<512x64xbf16>
    %dot_general3A_210 = arith.constant dense<0.000000e+00> : vector<1x64xf32>
    %dot_general3A_211 = tpu.matmul %convert_element_type3A_65, %convert_element_type3A_209, %dot_general3A_210 {dimension_numbers = #tpu.dot_dimension_numbers<[1], [0], [0], [1], [0, 0, 1, 1], [], []>, transpose_lhs_hint = false} : vector<1x512xbf16>, vector<512x64xbf16>, vector<1x64xf32> -> vector<1x64xf32>
    %dot_general3A_212 = arith.constant dense<0.000000e+00> : vector<1x64xf32>
    %dot_general3A_213 = tpu.matmul %convert_element_type3A_68, %convert_element_type3A_209, %dot_general3A_212 {dimension_numbers = #tpu.dot_dimension_numbers<[1], [0], [0], [1], [0, 0, 1, 1], [], []>, transpose_lhs_hint = false} : vector<1x512xbf16>, vector<512x64xbf16>, vector<1x64xf32> -> vector<1x64xf32>
    %add3A_214 = arith.addf %dot_general3A_211, %dot_general3A_213 : vector<1x64xf32>
    %mul3A_215 = arith.constant 2.000000e-03 : f32
    %mul3A_216 = vector.broadcast %mul3A_215 : f32 to vector<1x64xf32>
    %mul3A_217 = arith.mulf %add3A_214, %mul3A_216 : vector<1x64xf32>
    %add3A_218 = arith.addf %mul3A_217, %get3A_64 : vector<1x64xf32>
    %get3A_219 = arith.constant 5120 : index
    %get3A_220 = arith.constant 0 : index
    %get3A_221 = vector.load %arg32[%get3A_219, %get3A_220] : memref<16384x150xbf16, #tpu.memory_space<vmem>>, vector<512x150xbf16>
    %dot_general3A_222 = arith.constant dense<0.000000e+00> : vector<512x64xf32>
    %dot_general3A_223 = tpu.matmul %get3A_221, %get3A_61, %dot_general3A_222 {dimension_numbers = #tpu.dot_dimension_numbers<[1], [0], [0], [1], [0, 0, 1, 1], [], []>, transpose_lhs_hint = false} : vector<512x150xbf16>, vector<150x64xbf16>, vector<512x64xf32> -> vector<512x64xf32>
    %convert_element_type3A_224 = arith.truncf %dot_general3A_223 : vector<512x64xf32> to vector<512x64xbf16>
    %dot_general3A_225 = arith.constant dense<0.000000e+00> : vector<1x64xf32>
    %dot_general3A_226 = tpu.matmul %convert_element_type3A_65, %convert_element_type3A_224, %dot_general3A_225 {dimension_numbers = #tpu.dot_dimension_numbers<[1], [0], [0], [1], [0, 0, 1, 1], [], []>, transpose_lhs_hint = false} : vector<1x512xbf16>, vector<512x64xbf16>, vector<1x64xf32> -> vector<1x64xf32>
    %dot_general3A_227 = arith.constant dense<0.000000e+00> : vector<1x64xf32>
    %dot_general3A_228 = tpu.matmul %convert_element_type3A_68, %convert_element_type3A_224, %dot_general3A_227 {dimension_numbers = #tpu.dot_dimension_numbers<[1], [0], [0], [1], [0, 0, 1, 1], [], []>, transpose_lhs_hint = false} : vector<1x512xbf16>, vector<512x64xbf16>, vector<1x64xf32> -> vector<1x64xf32>
    %add3A_229 = arith.addf %dot_general3A_226, %dot_general3A_228 : vector<1x64xf32>
    %mul3A_230 = arith.constant 2.000000e-03 : f32
    %mul3A_231 = vector.broadcast %mul3A_230 : f32 to vector<1x64xf32>
    %mul3A_232 = arith.mulf %add3A_229, %mul3A_231 : vector<1x64xf32>
    %add3A_233 = arith.addf %mul3A_232, %get3A_64 : vector<1x64xf32>
    %get3A_234 = arith.constant 5632 : index
    %get3A_235 = arith.constant 0 : index
    %get3A_236 = vector.load %arg32[%get3A_234, %get3A_235] : memref<16384x150xbf16, #tpu.memory_space<vmem>>, vector<512x150xbf16>
    %dot_general3A_237 = arith.constant dense<0.000000e+00> : vector<512x64xf32>
    %dot_general3A_238 = tpu.matmul %get3A_236, %get3A_61, %dot_general3A_237 {dimension_numbers = #tpu.dot_dimension_numbers<[1], [0], [0], [1], [0, 0, 1, 1], [], []>, transpose_lhs_hint = false} : vector<512x150xbf16>, vector<150x64xbf16>, vector<512x64xf32> -> vector<512x64xf32>
    %convert_element_type3A_239 = arith.truncf %dot_general3A_238 : vector<512x64xf32> to vector<512x64xbf16>
    %dot_general3A_240 = arith.constant dense<0.000000e+00> : vector<1x64xf32>
    %dot_general3A_241 = tpu.matmul %convert_element_type3A_65, %convert_element_type3A_239, %dot_general3A_240 {dimension_numbers = #tpu.dot_dimension_numbers<[1], [0], [0], [1], [0, 0, 1, 1], [], []>, transpose_lhs_hint = false} : vector<1x512xbf16>, vector<512x64xbf16>, vector<1x64xf32> -> vector<1x64xf32>
    %dot_general3A_242 = arith.constant dense<0.000000e+00> : vector<1x64xf32>
    %dot_general3A_243 = tpu.matmul %convert_element_type3A_68, %convert_element_type3A_239, %dot_general3A_242 {dimension_numbers = #tpu.dot_dimension_numbers<[1], [0], [0], [1], [0, 0, 1, 1], [], []>, transpose_lhs_hint = false} : vector<1x512xbf16>, vector<512x64xbf16>, vector<1x64xf32> -> vector<1x64xf32>
    %add3A_244 = arith.addf %dot_general3A_241, %dot_general3A_243 : vector<1x64xf32>
    %mul3A_245 = arith.constant 2.000000e-03 : f32
    %mul3A_246 = vector.broadcast %mul3A_245 : f32 to vector<1x64xf32>
    %mul3A_247 = arith.mulf %add3A_244, %mul3A_246 : vector<1x64xf32>
    %add3A_248 = arith.addf %mul3A_247, %get3A_64 : vector<1x64xf32>
    %get3A_249 = arith.constant 6144 : index
    %get3A_250 = arith.constant 0 : index
    %get3A_251 = vector.load %arg32[%get3A_249, %get3A_250] : memref<16384x150xbf16, #tpu.memory_space<vmem>>, vector<512x150xbf16>
    %dot_general3A_252 = arith.constant dense<0.000000e+00> : vector<512x64xf32>
    %dot_general3A_253 = tpu.matmul %get3A_251, %get3A_61, %dot_general3A_252 {dimension_numbers = #tpu.dot_dimension_numbers<[1], [0], [0], [1], [0, 0, 1, 1], [], []>, transpose_lhs_hint = false} : vector<512x150xbf16>, vector<150x64xbf16>, vector<512x64xf32> -> vector<512x64xf32>
    %convert_element_type3A_254 = arith.truncf %dot_general3A_253 : vector<512x64xf32> to vector<512x64xbf16>
    %dot_general3A_255 = arith.constant dense<0.000000e+00> : vector<1x64xf32>
    %dot_general3A_256 = tpu.matmul %convert_element_type3A_65, %convert_element_type3A_254, %dot_general3A_255 {dimension_numbers = #tpu.dot_dimension_numbers<[1], [0], [0], [1], [0, 0, 1, 1], [], []>, transpose_lhs_hint = false} : vector<1x512xbf16>, vector<512x64xbf16>, vector<1x64xf32> -> vector<1x64xf32>
    %dot_general3A_257 = arith.constant dense<0.000000e+00> : vector<1x64xf32>
    %dot_general3A_258 = tpu.matmul %convert_element_type3A_68, %convert_element_type3A_254, %dot_general3A_257 {dimension_numbers = #tpu.dot_dimension_numbers<[1], [0], [0], [1], [0, 0, 1, 1], [], []>, transpose_lhs_hint = false} : vector<1x512xbf16>, vector<512x64xbf16>, vector<1x64xf32> -> vector<1x64xf32>
    %add3A_259 = arith.addf %dot_general3A_256, %dot_general3A_258 : vector<1x64xf32>
    %mul3A_260 = arith.constant 2.000000e-03 : f32
    %mul3A_261 = vector.broadcast %mul3A_260 : f32 to vector<1x64xf32>
    %mul3A_262 = arith.mulf %add3A_259, %mul3A_261 : vector<1x64xf32>
    %add3A_263 = arith.addf %mul3A_262, %get3A_64 : vector<1x64xf32>
    %get3A_264 = arith.constant 6656 : index
    %get3A_265 = arith.constant 0 : index
    %get3A_266 = vector.load %arg32[%get3A_264, %get3A_265] : memref<16384x150xbf16, #tpu.memory_space<vmem>>, vector<512x150xbf16>
    %dot_general3A_267 = arith.constant dense<0.000000e+00> : vector<512x64xf32>
    %dot_general3A_268 = tpu.matmul %get3A_266, %get3A_61, %dot_general3A_267 {dimension_numbers = #tpu.dot_dimension_numbers<[1], [0], [0], [1], [0, 0, 1, 1], [], []>, transpose_lhs_hint = false} : vector<512x150xbf16>, vector<150x64xbf16>, vector<512x64xf32> -> vector<512x64xf32>
    %convert_element_type3A_269 = arith.truncf %dot_general3A_268 : vector<512x64xf32> to vector<512x64xbf16>
    %dot_general3A_270 = arith.constant dense<0.000000e+00> : vector<1x64xf32>
    %dot_general3A_271 = tpu.matmul %convert_element_type3A_65, %convert_element_type3A_269, %dot_general3A_270 {dimension_numbers = #tpu.dot_dimension_numbers<[1], [0], [0], [1], [0, 0, 1, 1], [], []>, transpose_lhs_hint = false} : vector<1x512xbf16>, vector<512x64xbf16>, vector<1x64xf32> -> vector<1x64xf32>
    %dot_general3A_272 = arith.constant dense<0.000000e+00> : vector<1x64xf32>
    %dot_general3A_273 = tpu.matmul %convert_element_type3A_68, %convert_element_type3A_269, %dot_general3A_272 {dimension_numbers = #tpu.dot_dimension_numbers<[1], [0], [0], [1], [0, 0, 1, 1], [], []>, transpose_lhs_hint = false} : vector<1x512xbf16>, vector<512x64xbf16>, vector<1x64xf32> -> vector<1x64xf32>
    %add3A_274 = arith.addf %dot_general3A_271, %dot_general3A_273 : vector<1x64xf32>
    %mul3A_275 = arith.constant 2.000000e-03 : f32
    %mul3A_276 = vector.broadcast %mul3A_275 : f32 to vector<1x64xf32>
    %mul3A_277 = arith.mulf %add3A_274, %mul3A_276 : vector<1x64xf32>
    %add3A_278 = arith.addf %mul3A_277, %get3A_64 : vector<1x64xf32>
    %get3A_279 = arith.constant 7168 : index
    %get3A_280 = arith.constant 0 : index
    %get3A_281 = vector.load %arg32[%get3A_279, %get3A_280] : memref<16384x150xbf16, #tpu.memory_space<vmem>>, vector<512x150xbf16>
    %dot_general3A_282 = arith.constant dense<0.000000e+00> : vector<512x64xf32>
    %dot_general3A_283 = tpu.matmul %get3A_281, %get3A_61, %dot_general3A_282 {dimension_numbers = #tpu.dot_dimension_numbers<[1], [0], [0], [1], [0, 0, 1, 1], [], []>, transpose_lhs_hint = false} : vector<512x150xbf16>, vector<150x64xbf16>, vector<512x64xf32> -> vector<512x64xf32>
    %convert_element_type3A_284 = arith.truncf %dot_general3A_283 : vector<512x64xf32> to vector<512x64xbf16>
    %dot_general3A_285 = arith.constant dense<0.000000e+00> : vector<1x64xf32>
    %dot_general3A_286 = tpu.matmul %convert_element_type3A_65, %convert_element_type3A_284, %dot_general3A_285 {dimension_numbers = #tpu.dot_dimension_numbers<[1], [0], [0], [1], [0, 0, 1, 1], [], []>, transpose_lhs_hint = false} : vector<1x512xbf16>, vector<512x64xbf16>, vector<1x64xf32> -> vector<1x64xf32>
    %dot_general3A_287 = arith.constant dense<0.000000e+00> : vector<1x64xf32>
    %dot_general3A_288 = tpu.matmul %convert_element_type3A_68, %convert_element_type3A_284, %dot_general3A_287 {dimension_numbers = #tpu.dot_dimension_numbers<[1], [0], [0], [1], [0, 0, 1, 1], [], []>, transpose_lhs_hint = false} : vector<1x512xbf16>, vector<512x64xbf16>, vector<1x64xf32> -> vector<1x64xf32>
    %add3A_289 = arith.addf %dot_general3A_286, %dot_general3A_288 : vector<1x64xf32>
    %mul3A_290 = arith.constant 2.000000e-03 : f32
    %mul3A_291 = vector.broadcast %mul3A_290 : f32 to vector<1x64xf32>
    %mul3A_292 = arith.mulf %add3A_289, %mul3A_291 : vector<1x64xf32>
    %add3A_293 = arith.addf %mul3A_292, %get3A_64 : vector<1x64xf32>
    %get3A_294 = arith.constant 7680 : index
    %get3A_295 = arith.constant 0 : index
    %get3A_296 = vector.load %arg32[%get3A_294, %get3A_295] : memref<16384x150xbf16, #tpu.memory_space<vmem>>, vector<512x150xbf16>
    %dot_general3A_297 = arith.constant dense<0.000000e+00> : vector<512x64xf32>
    %dot_general3A_298 = tpu.matmul %get3A_296, %get3A_61, %dot_general3A_297 {dimension_numbers = #tpu.dot_dimension_numbers<[1], [0], [0], [1], [0, 0, 1, 1], [], []>, transpose_lhs_hint = false} : vector<512x150xbf16>, vector<150x64xbf16>, vector<512x64xf32> -> vector<512x64xf32>
    %convert_element_type3A_299 = arith.truncf %dot_general3A_298 : vector<512x64xf32> to vector<512x64xbf16>
    %dot_general3A_300 = arith.constant dense<0.000000e+00> : vector<1x64xf32>
    %dot_general3A_301 = tpu.matmul %convert_element_type3A_65, %convert_element_type3A_299, %dot_general3A_300 {dimension_numbers = #tpu.dot_dimension_numbers<[1], [0], [0], [1], [0, 0, 1, 1], [], []>, transpose_lhs_hint = false} : vector<1x512xbf16>, vector<512x64xbf16>, vector<1x64xf32> -> vector<1x64xf32>
    %dot_general3A_302 = arith.constant dense<0.000000e+00> : vector<1x64xf32>
    %dot_general3A_303 = tpu.matmul %convert_element_type3A_68, %convert_element_type3A_299, %dot_general3A_302 {dimension_numbers = #tpu.dot_dimension_numbers<[1], [0], [0], [1], [0, 0, 1, 1], [], []>, transpose_lhs_hint = false} : vector<1x512xbf16>, vector<512x64xbf16>, vector<1x64xf32> -> vector<1x64xf32>
    %add3A_304 = arith.addf %dot_general3A_301, %dot_general3A_303 : vector<1x64xf32>
    %mul3A_305 = arith.constant 2.000000e-03 : f32
    %mul3A_306 = vector.broadcast %mul3A_305 : f32 to vector<1x64xf32>
    %mul3A_307 = arith.mulf %add3A_304, %mul3A_306 : vector<1x64xf32>
    %add3A_308 = arith.addf %mul3A_307, %get3A_64 : vector<1x64xf32>
    %concatenate3A_309 = tpu.concatenate %add3A_83, %add3A_98, %add3A_113, %add3A_128, %add3A_143, %add3A_158, %add3A_173, %add3A_188, %add3A_203, %add3A_218, %add3A_233, %add3A_248, %add3A_263, %add3A_278, %add3A_293, %add3A_308 in 0 : vector<1x64xf32>, vector<1x64xf32>, vector<1x64xf32>, vector<1x64xf32>, vector<1x64xf32>, vector<1x64xf32>, vector<1x64xf32>, vector<1x64xf32>, vector<1x64xf32>, vector<1x64xf32>, vector<1x64xf32>, vector<1x64xf32>, vector<1x64xf32>, vector<1x64xf32>, vector<1x64xf32>, vector<1x64xf32> -> vector<16x64xf32>
    %broadcast_in_dim3A_310 = arith.constant 1.000000e+00 : bf16
    %broadcast_in_dim3A_311 = vector.broadcast %broadcast_in_dim3A_310 : bf16 to vector<1024x1xbf16>
    %get3A_312 = arith.constant 0 : index
    %get3A_313 = arith.constant 0 : index
    %get3A_314 = vector.load %arg1[%get3A_312, %get3A_313] : memref<1024x1024xbf16, #tpu.memory_space<vmem>>, vector<1024x1024xbf16>
    %dot_general3A_315 = arith.constant dense<0.000000e+00> : vector<1024x1xf32>
    %dot_general3A_316 = tpu.matmul %get3A_314, %broadcast_in_dim3A_311, %dot_general3A_315 {dimension_numbers = #tpu.dot_dimension_numbers<[1], [0], [0], [1], [0, 0, 1, 1], [], []>, transpose_lhs_hint = false} : vector<1024x1024xbf16>, vector<1024x1xbf16>, vector<1024x1xf32> -> vector<1024x1xf32>
    %rsqrt3A_317 = math.rsqrt %dot_general3A_316 : vector<1024x1xf32>
    %iota3A_318 = tpu.iota {dimensions = array<i32: 0>} : vector<1024x1xi32>
    %lt3A_319 = arith.constant 1000 : i32
    %lt3A_320 = vector.broadcast %lt3A_319 : i32 to vector<1024x1xi32>
    %lt3A_321 = arith.cmpi slt, %iota3A_318, %lt3A_320 : vector<1024x1xi32>
    %jit3A_322 = arith.constant 0.000000e+00 : f32
    %broadcast_in_dim3A_323 = vector.broadcast %jit3A_322 : f32 to vector<1024x1xf32>
    %select_n3A_324 = arith.select %lt3A_321, %rsqrt3A_317, %broadcast_in_dim3A_323 : vector<1024x1xi1>, vector<1024x1xf32>
    %convert_element_type3A_325 = arith.truncf %select_n3A_324 : vector<1024x1xf32> to vector<1024x1xbf16>
    %convert_element_type3A_326 = arith.extf %convert_element_type3A_325 : vector<1024x1xbf16> to vector<1024x1xf32>
    %sub3A_327 = arith.subf %select_n3A_324, %convert_element_type3A_326 : vector<1024x1xf32>
    %convert_element_type3A_328 = arith.truncf %sub3A_327 : vector<1024x1xf32> to vector<1024x1xbf16>
    %get3A_329 = arith.constant 0 : index
    %get3A_330 = arith.constant 0 : index
    %get3A_331 = vector.load %arg1[%get3A_329, %get3A_330] : memref<1024x1024xbf16, #tpu.memory_space<vmem>>, vector<1024x1024xbf16>
    %dot_general3A_332 = arith.constant dense<0.000000e+00> : vector<1x1024xf32>
    %dot_general3A_333 = tpu.matmul %convert_element_type3A_325, %get3A_331, %dot_general3A_332 {dimension_numbers = #tpu.dot_dimension_numbers<[0], [0], [1], [1], [0, 1, 1, 1], [], []>, transpose_lhs_hint = false} : vector<1024x1xbf16>, vector<1024x1024xbf16>, vector<1x1024xf32> -> vector<1x1024xf32>
    %get3A_334 = arith.constant 0 : index
    %get3A_335 = arith.constant 0 : index
    %get3A_336 = vector.load %arg1[%get3A_334, %get3A_335] : memref<1024x1024xbf16, #tpu.memory_space<vmem>>, vector<1024x1024xbf16>
    %dot_general3A_337 = arith.constant dense<0.000000e+00> : vector<1x1024xf32>
    %dot_general3A_338 = tpu.matmul %convert_element_type3A_328, %get3A_336, %dot_general3A_337 {dimension_numbers = #tpu.dot_dimension_numbers<[0], [0], [1], [1], [0, 1, 1, 1], [], []>, transpose_lhs_hint = false} : vector<1024x1xbf16>, vector<1024x1024xbf16>, vector<1x1024xf32> -> vector<1x1024xf32>
    %add3A_339 = arith.addf %dot_general3A_333, %dot_general3A_338 : vector<1x1024xf32>
    %concatenate3A_340 = tpu.concatenate %rsqrt3A_317, %rsqrt3A_317, %rsqrt3A_317, %rsqrt3A_317, %rsqrt3A_317, %rsqrt3A_317, %rsqrt3A_317, %rsqrt3A_317, %rsqrt3A_317, %rsqrt3A_317, %rsqrt3A_317, %rsqrt3A_317, %rsqrt3A_317, %rsqrt3A_317, %rsqrt3A_317, %rsqrt3A_317 in 0 : vector<1024x1xf32>, vector<1024x1xf32>, vector<1024x1xf32>, vector<1024x1xf32>, vector<1024x1xf32>, vector<1024x1xf32>, vector<1024x1xf32>, vector<1024x1xf32>, vector<1024x1xf32>, vector<1024x1xf32>, vector<1024x1xf32>, vector<1024x1xf32>, vector<1024x1xf32>, vector<1024x1xf32>, vector<1024x1xf32>, vector<1024x1xf32> -> vector<16384x1xf32>
    %get3A_341 = arith.constant 0 : index
    %get3A_342 = arith.constant 0 : index
    %get3A_343 = vector.load %arg3[%get3A_341, %get3A_342] : memref<16384x5xbf16, #tpu.memory_space<vmem>>, vector<16384x5xbf16>
    %convert_element_type3A_344 = arith.extf %get3A_343 : vector<16384x5xbf16> to vector<16384x5xf32>
    %mul3A_345 = vector.broadcast %concatenate3A_340 : vector<16384x1xf32> to vector<16384x5xf32>
    %mul3A_346 = arith.mulf %convert_element_type3A_344, %mul3A_345 : vector<16384x5xf32>
    %convert_element_type3A_347 = arith.truncf %mul3A_346 : vector<16384x5xf32> to vector<16384x5xbf16>
    %swap3A_348 = arith.constant 0 : index
    %swap3A_349 = arith.constant 0 : index
    %swap3A_350 = vector.load %arg32[%swap3A_348, %swap3A_349] : memref<16384x150xbf16, #tpu.memory_space<vmem>>, vector<16384x5xbf16>
    tpu.vector_store %arg32[%swap3A_348, %swap3A_349], %convert_element_type3A_347 {strides = array<i32>} : memref<16384x150xbf16, #tpu.memory_space<vmem>>, vector<16384x5xbf16>,
    %get3A_351 = arith.constant 0 : index
    %get3A_352 = arith.constant 0 : index
    %get3A_353 = vector.load %arg14[%get3A_351, %get3A_352] : memref<5x150xbf16, #tpu.memory_space<vmem>>, vector<5x150xbf16>
    %get3A_354 = arith.constant 0 : index
    %get3A_355 = arith.constant 0 : index
    %get3A_356 = vector.load %arg15[%get3A_354, %get3A_355] : memref<1x150xf32, #tpu.memory_space<vmem>>, vector<1x150xf32>
    %scan3A_357 = arith.constant 0 : i32
    %scan3A_358 = arith.constant 16 : i32
    %scan3A_359 = arith.addi %scan3A_357, %scan3A_358 : i32
    %scan3A_360 = arith.constant 1 : i32
    scf.for %scan3A_704 = %scan3A_357 to %scan3A_359 step %scan3A_360  : i32 {
      %mul3A_705 = arith.constant 1024 : i32
      %mul3A_706 = arith.muli %scan3A_704, %mul3A_705 : i32
      %get3A_707 = arith.index_cast %mul3A_706 : i32 to index
      %get3A_708 = arith.constant 0 : index
      %get3A_709 = vector.load %arg32[%get3A_707, %get3A_708] : memref<16384x150xbf16, #tpu.memory_space<vmem>>, vector<1024x5xbf16>
      %dot_general3A_710 = arith.constant dense<0.000000e+00> : vector<1024x150xf32>
      %dot_general3A_711 = tpu.matmul %get3A_709, %get3A_353, %dot_general3A_710 {dimension_numbers = #tpu.dot_dimension_numbers<[1], [0], [0], [1], [0, 0, 1, 1], [], []>, transpose_lhs_hint = false} : vector<1024x5xbf16>, vector<5x150xbf16>, vector<1024x150xf32> -> vector<1024x150xf32>
      %convert_element_type3A_712 = arith.truncf %dot_general3A_711 : vector<1024x150xf32> to vector<1024x150xbf16>
      %get3A_713 = arith.constant 0 : index
      %get3A_714 = arith.constant 0 : index
      %get3A_715 = vector.load %arg1[%get3A_713, %get3A_714] : memref<1024x1024xbf16, #tpu.memory_space<vmem>>, vector<1024x1024xbf16>
      %dot_general3A_716 = arith.constant dense<0.000000e+00> : vector<1024x150xf32>
      %dot_general3A_717 = tpu.matmul %get3A_715, %convert_element_type3A_712, %dot_general3A_716 {dimension_numbers = #tpu.dot_dimension_numbers<[1], [0], [0], [1], [0, 0, 1, 1], [], []>, transpose_lhs_hint = false} : vector<1024x1024xbf16>, vector<1024x150xbf16>, vector<1024x150xf32> -> vector<1024x150xf32>
      %mul3A_718 = vector.broadcast %rsqrt3A_317 : vector<1024x1xf32> to vector<1024x150xf32>
      %mul3A_719 = arith.mulf %dot_general3A_717, %mul3A_718 : vector<1024x150xf32>
      %add3A_720 = vector.broadcast %get3A_356 : vector<1x150xf32> to vector<1024x150xf32>
      %add3A_721 = arith.addf %mul3A_719, %add3A_720 : vector<1024x150xf32>
      %ge3A = arith.constant 0.000000e+00 : f32
      %ge3A_722 = vector.broadcast %ge3A : f32 to vector<1024x150xf32>
      %ge3A_723 = arith.cmpf oge, %add3A_721, %ge3A_722 : vector<1024x150xf32>
      %mul3A_724 = arith.constant 1.000000e-01 : f32
      %mul3A_725 = vector.broadcast %mul3A_724 : f32 to vector<1024x150xf32>
      %mul3A_726 = arith.mulf %mul3A_725, %add3A_721 : vector<1024x150xf32>
      %select_n3A_727 = arith.select %ge3A_723, %add3A_721, %mul3A_726 : vector<1024x150xi1>, vector<1024x150xf32>
      %mul3A_728 = vector.broadcast %rsqrt3A_317 : vector<1024x1xf32> to vector<1024x150xf32>
      %mul3A_729 = arith.mulf %select_n3A_727, %mul3A_728 : vector<1024x150xf32>
      %convert_element_type3A_730 = arith.truncf %mul3A_729 : vector<1024x150xf32> to vector<1024x150xbf16>
      %swap3A_731 = arith.index_cast %mul3A_706 : i32 to index
      %swap3A_732 = arith.constant 0 : index
      %swap3A_733 = vector.load %arg32[%swap3A_731, %swap3A_732] : memref<16384x150xbf16, #tpu.memory_space<vmem>>, vector<1024x150xbf16>
      tpu.vector_store %arg32[%swap3A_731, %swap3A_732], %convert_element_type3A_730 {strides = array<i32>} : memref<16384x150xbf16, #tpu.memory_space<vmem>>, vector<1024x150xbf16>,
    }
    %scan3A_361 = arith.constant 16 : i32
    %get3A_362 = arith.constant 0 : index
    %get3A_363 = arith.constant 0 : index
    %get3A_364 = vector.load %arg16[%get3A_362, %get3A_363] : memref<150x150xbf16, #tpu.memory_space<vmem>>, vector<150x150xbf16>
    %get3A_365 = arith.constant 0 : index
    %get3A_366 = arith.constant 0 : index
    %get3A_367 = vector.load %arg17[%get3A_365, %get3A_366] : memref<1x150xf32, #tpu.memory_space<vmem>>, vector<1x150xf32>
    %scan3A_368 = arith.constant 0 : i32
    %scan3A_369 = arith.constant 16 : i32
    %scan3A_370 = arith.addi %scan3A_368, %scan3A_369 : i32
    %scan3A_371 = arith.constant 1 : i32
    scf.for %scan3A_704 = %scan3A_368 to %scan3A_370 step %scan3A_371  : i32 {
      %mul3A_705 = arith.constant 1024 : i32
      %mul3A_706 = arith.muli %scan3A_704, %mul3A_705 : i32
      %get3A_707 = arith.index_cast %mul3A_706 : i32 to index
      %get3A_708 = arith.constant 0 : index
      %get3A_709 = vector.load %arg32[%get3A_707, %get3A_708] : memref<16384x150xbf16, #tpu.memory_space<vmem>>, vector<1024x150xbf16>
      %dot_general3A_710 = arith.constant dense<0.000000e+00> : vector<1024x150xf32>
      %dot_general3A_711 = tpu.matmul %get3A_709, %get3A_364, %dot_general3A_710 {dimension_numbers = #tpu.dot_dimension_numbers<[1], [0], [0], [1], [0, 0, 1, 1], [], []>, transpose_lhs_hint = false} : vector<1024x150xbf16>, vector<150x150xbf16>, vector<1024x150xf32> -> vector<1024x150xf32>
      %convert_element_type3A_712 = arith.truncf %dot_general3A_711 : vector<1024x150xf32> to vector<1024x150xbf16>
      %get3A_713 = arith.constant 0 : index
      %get3A_714 = arith.constant 0 : index
      %get3A_715 = vector.load %arg1[%get3A_713, %get3A_714] : memref<1024x1024xbf16, #tpu.memory_space<vmem>>, vector<1024x1024xbf16>
      %dot_general3A_716 = arith.constant dense<0.000000e+00> : vector<1024x150xf32>
      %dot_general3A_717 = tpu.matmul %get3A_715, %convert_element_type3A_712, %dot_general3A_716 {dimension_numbers = #tpu.dot_dimension_numbers<[1], [0], [0], [1], [0, 0, 1, 1], [], []>, transpose_lhs_hint = false} : vector<1024x1024xbf16>, vector<1024x150xbf16>, vector<1024x150xf32> -> vector<1024x150xf32>
      %mul3A_718 = vector.broadcast %rsqrt3A_317 : vector<1024x1xf32> to vector<1024x150xf32>
      %mul3A_719 = arith.mulf %dot_general3A_717, %mul3A_718 : vector<1024x150xf32>
      %add3A_720 = vector.broadcast %get3A_367 : vector<1x150xf32> to vector<1024x150xf32>
      %add3A_721 = arith.addf %mul3A_719, %add3A_720 : vector<1024x150xf32>
      %ge3A = arith.constant 0.000000e+00 : f32
      %ge3A_722 = vector.broadcast %ge3A : f32 to vector<1024x150xf32>
      %ge3A_723 = arith.cmpf oge, %add3A_721, %ge3A_722 : vector<1024x150xf32>
      %mul3A_724 = arith.constant 1.000000e-01 : f32
      %mul3A_725 = vector.broadcast %mul3A_724 : f32 to vector<1024x150xf32>
      %mul3A_726 = arith.mulf %mul3A_725, %add3A_721 : vector<1024x150xf32>
      %select_n3A_727 = arith.select %ge3A_723, %add3A_721, %mul3A_726 : vector<1024x150xi1>, vector<1024x150xf32>
      %mul3A_728 = vector.broadcast %rsqrt3A_317 : vector<1024x1xf32> to vector<1024x150xf32>
      %mul3A_729 = arith.mulf %select_n3A_727, %mul3A_728 : vector<1024x150xf32>
      %convert_element_type3A_730 = arith.truncf %mul3A_729 : vector<1024x150xf32> to vector<1024x150xbf16>
      %swap3A_731 = arith.index_cast %mul3A_706 : i32 to index
      %swap3A_732 = arith.constant 0 : index
      %swap3A_733 = vector.load %arg32[%swap3A_731, %swap3A_732] : memref<16384x150xbf16, #tpu.memory_space<vmem>>, vector<1024x150xbf16>
      tpu.vector_store %arg32[%swap3A_731, %swap3A_732], %convert_element_type3A_730 {strides = array<i32>} : memref<16384x150xbf16, #tpu.memory_space<vmem>>, vector<1024x150xbf16>,
    }
    %scan3A_372 = arith.constant 16 : i32
    %get3A_373 = arith.constant 0 : index
    %get3A_374 = arith.constant 0 : index
    %get3A_375 = vector.load %arg18[%get3A_373, %get3A_374] : memref<150x150xbf16, #tpu.memory_space<vmem>>, vector<150x150xbf16>
    %get3A_376 = arith.constant 0 : index
    %get3A_377 = arith.constant 0 : index
    %get3A_378 = vector.load %arg19[%get3A_376, %get3A_377] : memref<1x150xf32, #tpu.memory_space<vmem>>, vector<1x150xf32>
    %scan3A_379 = arith.constant 0 : i32
    %scan3A_380 = arith.constant 16 : i32
    %scan3A_381 = arith.addi %scan3A_379, %scan3A_380 : i32
    %scan3A_382 = arith.constant 1 : i32
    scf.for %scan3A_704 = %scan3A_379 to %scan3A_381 step %scan3A_382  : i32 {
      %mul3A_705 = arith.constant 1024 : i32
      %mul3A_706 = arith.muli %scan3A_704, %mul3A_705 : i32
      %get3A_707 = arith.index_cast %mul3A_706 : i32 to index
      %get3A_708 = arith.constant 0 : index
      %get3A_709 = vector.load %arg32[%get3A_707, %get3A_708] : memref<16384x150xbf16, #tpu.memory_space<vmem>>, vector<1024x150xbf16>
      %dot_general3A_710 = arith.constant dense<0.000000e+00> : vector<1024x150xf32>
      %dot_general3A_711 = tpu.matmul %get3A_709, %get3A_375, %dot_general3A_710 {dimension_numbers = #tpu.dot_dimension_numbers<[1], [0], [0], [1], [0, 0, 1, 1], [], []>, transpose_lhs_hint = false} : vector<1024x150xbf16>, vector<150x150xbf16>, vector<1024x150xf32> -> vector<1024x150xf32>
      %convert_element_type3A_712 = arith.truncf %dot_general3A_711 : vector<1024x150xf32> to vector<1024x150xbf16>
      %get3A_713 = arith.constant 0 : index
      %get3A_714 = arith.constant 0 : index
      %get3A_715 = vector.load %arg1[%get3A_713, %get3A_714] : memref<1024x1024xbf16, #tpu.memory_space<vmem>>, vector<1024x1024xbf16>
      %dot_general3A_716 = arith.constant dense<0.000000e+00> : vector<1024x150xf32>
      %dot_general3A_717 = tpu.matmul %get3A_715, %convert_element_type3A_712, %dot_general3A_716 {dimension_numbers = #tpu.dot_dimension_numbers<[1], [0], [0], [1], [0, 0, 1, 1], [], []>, transpose_lhs_hint = false} : vector<1024x1024xbf16>, vector<1024x150xbf16>, vector<1024x150xf32> -> vector<1024x150xf32>
      %mul3A_718 = vector.broadcast %rsqrt3A_317 : vector<1024x1xf32> to vector<1024x150xf32>
      %mul3A_719 = arith.mulf %dot_general3A_717, %mul3A_718 : vector<1024x150xf32>
      %add3A_720 = vector.broadcast %get3A_378 : vector<1x150xf32> to vector<1024x150xf32>
      %add3A_721 = arith.addf %mul3A_719, %add3A_720 : vector<1024x150xf32>
      %ge3A = arith.constant 0.000000e+00 : f32
      %ge3A_722 = vector.broadcast %ge3A : f32 to vector<1024x150xf32>
      %ge3A_723 = arith.cmpf oge, %add3A_721, %ge3A_722 : vector<1024x150xf32>
      %mul3A_724 = arith.constant 1.000000e-01 : f32
      %mul3A_725 = vector.broadcast %mul3A_724 : f32 to vector<1024x150xf32>
      %mul3A_726 = arith.mulf %mul3A_725, %add3A_721 : vector<1024x150xf32>
      %select_n3A_727 = arith.select %ge3A_723, %add3A_721, %mul3A_726 : vector<1024x150xi1>, vector<1024x150xf32>
      %mul3A_728 = vector.broadcast %rsqrt3A_317 : vector<1024x1xf32> to vector<1024x150xf32>
      %mul3A_729 = arith.mulf %select_n3A_727, %mul3A_728 : vector<1024x150xf32>
      %convert_element_type3A_730 = arith.truncf %mul3A_729 : vector<1024x150xf32> to vector<1024x150xbf16>
      %swap3A_731 = arith.index_cast %mul3A_706 : i32 to index
      %swap3A_732 = arith.constant 0 : index
      %swap3A_733 = vector.load %arg32[%swap3A_731, %swap3A_732] : memref<16384x150xbf16, #tpu.memory_space<vmem>>, vector<1024x150xbf16>
      tpu.vector_store %arg32[%swap3A_731, %swap3A_732], %convert_element_type3A_730 {strides = array<i32>} : memref<16384x150xbf16, #tpu.memory_space<vmem>>, vector<1024x150xbf16>,
    }
    %scan3A_383 = arith.constant 16 : i32
    %get3A_384 = arith.constant 0 : index
    %get3A_385 = arith.constant 0 : index
    %get3A_386 = vector.load %arg20[%get3A_384, %get3A_385] : memref<150x64xbf16, #tpu.memory_space<vmem>>, vector<150x64xbf16>
    %get3A_387 = arith.constant 0 : index
    %get3A_388 = arith.constant 0 : index
    %get3A_389 = vector.load %arg21[%get3A_387, %get3A_388] : memref<1x64xf32, #tpu.memory_space<vmem>>, vector<1x64xf32>
    %convert_element_type3A_390 = arith.truncf %add3A_339 : vector<1x1024xf32> to vector<1x1024xbf16>
    %convert_element_type3A_391 = arith.extf %convert_element_type3A_390 : vector<1x1024xbf16> to vector<1x1024xf32>
    %sub3A_392 = arith.subf %add3A_339, %convert_element_type3A_391 : vector<1x1024xf32>
    %convert_element_type3A_393 = arith.truncf %sub3A_392 : vector<1x1024xf32> to vector<1x1024xbf16>
    %get3A_394 = arith.constant 0 : index
    %get3A_395 = arith.constant 0 : index
    %get3A_396 = vector.load %arg32[%get3A_394, %get3A_395] : memref<16384x150xbf16, #tpu.memory_space<vmem>>, vector<1024x150xbf16>
    %dot_general3A_397 = arith.constant dense<0.000000e+00> : vector<1024x64xf32>
    %dot_general3A_398 = tpu.matmul %get3A_396, %get3A_386, %dot_general3A_397 {dimension_numbers = #tpu.dot_dimension_numbers<[1], [0], [0], [1], [0, 0, 1, 1], [], []>, transpose_lhs_hint = false} : vector<1024x150xbf16>, vector<150x64xbf16>, vector<1024x64xf32> -> vector<1024x64xf32>
    %convert_element_type3A_399 = arith.truncf %dot_general3A_398 : vector<1024x64xf32> to vector<1024x64xbf16>
    %dot_general3A_400 = arith.constant dense<0.000000e+00> : vector<1x64xf32>
    %dot_general3A_401 = tpu.matmul %convert_element_type3A_390, %convert_element_type3A_399, %dot_general3A_400 {dimension_numbers = #tpu.dot_dimension_numbers<[1], [0], [0], [1], [0, 0, 1, 1], [], []>, transpose_lhs_hint = false} : vector<1x1024xbf16>, vector<1024x64xbf16>, vector<1x64xf32> -> vector<1x64xf32>
    %dot_general3A_402 = arith.constant dense<0.000000e+00> : vector<1x64xf32>
    %dot_general3A_403 = tpu.matmul %convert_element_type3A_393, %convert_element_type3A_399, %dot_general3A_402 {dimension_numbers = #tpu.dot_dimension_numbers<[1], [0], [0], [1], [0, 0, 1, 1], [], []>, transpose_lhs_hint = false} : vector<1x1024xbf16>, vector<1024x64xbf16>, vector<1x64xf32> -> vector<1x64xf32>
    %add3A_404 = arith.addf %dot_general3A_401, %dot_general3A_403 : vector<1x64xf32>
    %mul3A_405 = arith.constant 1.000000e-03 : f32
    %mul3A_406 = vector.broadcast %mul3A_405 : f32 to vector<1x64xf32>
    %mul3A_407 = arith.mulf %add3A_404, %mul3A_406 : vector<1x64xf32>
    %add3A_408 = arith.addf %mul3A_407, %get3A_389 : vector<1x64xf32>
    %get3A_409 = arith.constant 1024 : index
    %get3A_410 = arith.constant 0 : index
    %get3A_411 = vector.load %arg32[%get3A_409, %get3A_410] : memref<16384x150xbf16, #tpu.memory_space<vmem>>, vector<1024x150xbf16>
    %dot_general3A_412 = arith.constant dense<0.000000e+00> : vector<1024x64xf32>
    %dot_general3A_413 = tpu.matmul %get3A_411, %get3A_386, %dot_general3A_412 {dimension_numbers = #tpu.dot_dimension_numbers<[1], [0], [0], [1], [0, 0, 1, 1], [], []>, transpose_lhs_hint = false} : vector<1024x150xbf16>, vector<150x64xbf16>, vector<1024x64xf32> -> vector<1024x64xf32>
    %convert_element_type3A_414 = arith.truncf %dot_general3A_413 : vector<1024x64xf32> to vector<1024x64xbf16>
    %dot_general3A_415 = arith.constant dense<0.000000e+00> : vector<1x64xf32>
    %dot_general3A_416 = tpu.matmul %convert_element_type3A_390, %convert_element_type3A_414, %dot_general3A_415 {dimension_numbers = #tpu.dot_dimension_numbers<[1], [0], [0], [1], [0, 0, 1, 1], [], []>, transpose_lhs_hint = false} : vector<1x1024xbf16>, vector<1024x64xbf16>, vector<1x64xf32> -> vector<1x64xf32>
    %dot_general3A_417 = arith.constant dense<0.000000e+00> : vector<1x64xf32>
    %dot_general3A_418 = tpu.matmul %convert_element_type3A_393, %convert_element_type3A_414, %dot_general3A_417 {dimension_numbers = #tpu.dot_dimension_numbers<[1], [0], [0], [1], [0, 0, 1, 1], [], []>, transpose_lhs_hint = false} : vector<1x1024xbf16>, vector<1024x64xbf16>, vector<1x64xf32> -> vector<1x64xf32>
    %add3A_419 = arith.addf %dot_general3A_416, %dot_general3A_418 : vector<1x64xf32>
    %mul3A_420 = arith.constant 1.000000e-03 : f32
    %mul3A_421 = vector.broadcast %mul3A_420 : f32 to vector<1x64xf32>
    %mul3A_422 = arith.mulf %add3A_419, %mul3A_421 : vector<1x64xf32>
    %add3A_423 = arith.addf %mul3A_422, %get3A_389 : vector<1x64xf32>
    %get3A_424 = arith.constant 2048 : index
    %get3A_425 = arith.constant 0 : index
    %get3A_426 = vector.load %arg32[%get3A_424, %get3A_425] : memref<16384x150xbf16, #tpu.memory_space<vmem>>, vector<1024x150xbf16>
    %dot_general3A_427 = arith.constant dense<0.000000e+00> : vector<1024x64xf32>
    %dot_general3A_428 = tpu.matmul %get3A_426, %get3A_386, %dot_general3A_427 {dimension_numbers = #tpu.dot_dimension_numbers<[1], [0], [0], [1], [0, 0, 1, 1], [], []>, transpose_lhs_hint = false} : vector<1024x150xbf16>, vector<150x64xbf16>, vector<1024x64xf32> -> vector<1024x64xf32>
    %convert_element_type3A_429 = arith.truncf %dot_general3A_428 : vector<1024x64xf32> to vector<1024x64xbf16>
    %dot_general3A_430 = arith.constant dense<0.000000e+00> : vector<1x64xf32>
    %dot_general3A_431 = tpu.matmul %convert_element_type3A_390, %convert_element_type3A_429, %dot_general3A_430 {dimension_numbers = #tpu.dot_dimension_numbers<[1], [0], [0], [1], [0, 0, 1, 1], [], []>, transpose_lhs_hint = false} : vector<1x1024xbf16>, vector<1024x64xbf16>, vector<1x64xf32> -> vector<1x64xf32>
    %dot_general3A_432 = arith.constant dense<0.000000e+00> : vector<1x64xf32>
    %dot_general3A_433 = tpu.matmul %convert_element_type3A_393, %convert_element_type3A_429, %dot_general3A_432 {dimension_numbers = #tpu.dot_dimension_numbers<[1], [0], [0], [1], [0, 0, 1, 1], [], []>, transpose_lhs_hint = false} : vector<1x1024xbf16>, vector<1024x64xbf16>, vector<1x64xf32> -> vector<1x64xf32>
    %add3A_434 = arith.addf %dot_general3A_431, %dot_general3A_433 : vector<1x64xf32>
    %mul3A_435 = arith.constant 1.000000e-03 : f32
    %mul3A_436 = vector.broadcast %mul3A_435 : f32 to vector<1x64xf32>
    %mul3A_437 = arith.mulf %add3A_434, %mul3A_436 : vector<1x64xf32>
    %add3A_438 = arith.addf %mul3A_437, %get3A_389 : vector<1x64xf32>
    %get3A_439 = arith.constant 3072 : index
    %get3A_440 = arith.constant 0 : index
    %get3A_441 = vector.load %arg32[%get3A_439, %get3A_440] : memref<16384x150xbf16, #tpu.memory_space<vmem>>, vector<1024x150xbf16>
    %dot_general3A_442 = arith.constant dense<0.000000e+00> : vector<1024x64xf32>
    %dot_general3A_443 = tpu.matmul %get3A_441, %get3A_386, %dot_general3A_442 {dimension_numbers = #tpu.dot_dimension_numbers<[1], [0], [0], [1], [0, 0, 1, 1], [], []>, transpose_lhs_hint = false} : vector<1024x150xbf16>, vector<150x64xbf16>, vector<1024x64xf32> -> vector<1024x64xf32>
    %convert_element_type3A_444 = arith.truncf %dot_general3A_443 : vector<1024x64xf32> to vector<1024x64xbf16>
    %dot_general3A_445 = arith.constant dense<0.000000e+00> : vector<1x64xf32>
    %dot_general3A_446 = tpu.matmul %convert_element_type3A_390, %convert_element_type3A_444, %dot_general3A_445 {dimension_numbers = #tpu.dot_dimension_numbers<[1], [0], [0], [1], [0, 0, 1, 1], [], []>, transpose_lhs_hint = false} : vector<1x1024xbf16>, vector<1024x64xbf16>, vector<1x64xf32> -> vector<1x64xf32>
    %dot_general3A_447 = arith.constant dense<0.000000e+00> : vector<1x64xf32>
    %dot_general3A_448 = tpu.matmul %convert_element_type3A_393, %convert_element_type3A_444, %dot_general3A_447 {dimension_numbers = #tpu.dot_dimension_numbers<[1], [0], [0], [1], [0, 0, 1, 1], [], []>, transpose_lhs_hint = false} : vector<1x1024xbf16>, vector<1024x64xbf16>, vector<1x64xf32> -> vector<1x64xf32>
    %add3A_449 = arith.addf %dot_general3A_446, %dot_general3A_448 : vector<1x64xf32>
    %mul3A_450 = arith.constant 1.000000e-03 : f32
    %mul3A_451 = vector.broadcast %mul3A_450 : f32 to vector<1x64xf32>
    %mul3A_452 = arith.mulf %add3A_449, %mul3A_451 : vector<1x64xf32>
    %add3A_453 = arith.addf %mul3A_452, %get3A_389 : vector<1x64xf32>
    %get3A_454 = arith.constant 4096 : index
    %get3A_455 = arith.constant 0 : index
    %get3A_456 = vector.load %arg32[%get3A_454, %get3A_455] : memref<16384x150xbf16, #tpu.memory_space<vmem>>, vector<1024x150xbf16>
    %dot_general3A_457 = arith.constant dense<0.000000e+00> : vector<1024x64xf32>
    %dot_general3A_458 = tpu.matmul %get3A_456, %get3A_386, %dot_general3A_457 {dimension_numbers = #tpu.dot_dimension_numbers<[1], [0], [0], [1], [0, 0, 1, 1], [], []>, transpose_lhs_hint = false} : vector<1024x150xbf16>, vector<150x64xbf16>, vector<1024x64xf32> -> vector<1024x64xf32>
    %convert_element_type3A_459 = arith.truncf %dot_general3A_458 : vector<1024x64xf32> to vector<1024x64xbf16>
    %dot_general3A_460 = arith.constant dense<0.000000e+00> : vector<1x64xf32>
    %dot_general3A_461 = tpu.matmul %convert_element_type3A_390, %convert_element_type3A_459, %dot_general3A_460 {dimension_numbers = #tpu.dot_dimension_numbers<[1], [0], [0], [1], [0, 0, 1, 1], [], []>, transpose_lhs_hint = false} : vector<1x1024xbf16>, vector<1024x64xbf16>, vector<1x64xf32> -> vector<1x64xf32>
    %dot_general3A_462 = arith.constant dense<0.000000e+00> : vector<1x64xf32>
    %dot_general3A_463 = tpu.matmul %convert_element_type3A_393, %convert_element_type3A_459, %dot_general3A_462 {dimension_numbers = #tpu.dot_dimension_numbers<[1], [0], [0], [1], [0, 0, 1, 1], [], []>, transpose_lhs_hint = false} : vector<1x1024xbf16>, vector<1024x64xbf16>, vector<1x64xf32> -> vector<1x64xf32>
    %add3A_464 = arith.addf %dot_general3A_461, %dot_general3A_463 : vector<1x64xf32>
    %mul3A_465 = arith.constant 1.000000e-03 : f32
    %mul3A_466 = vector.broadcast %mul3A_465 : f32 to vector<1x64xf32>
    %mul3A_467 = arith.mulf %add3A_464, %mul3A_466 : vector<1x64xf32>
    %add3A_468 = arith.addf %mul3A_467, %get3A_389 : vector<1x64xf32>
    %get3A_469 = arith.constant 5120 : index
    %get3A_470 = arith.constant 0 : index
    %get3A_471 = vector.load %arg32[%get3A_469, %get3A_470] : memref<16384x150xbf16, #tpu.memory_space<vmem>>, vector<1024x150xbf16>
    %dot_general3A_472 = arith.constant dense<0.000000e+00> : vector<1024x64xf32>
    %dot_general3A_473 = tpu.matmul %get3A_471, %get3A_386, %dot_general3A_472 {dimension_numbers = #tpu.dot_dimension_numbers<[1], [0], [0], [1], [0, 0, 1, 1], [], []>, transpose_lhs_hint = false} : vector<1024x150xbf16>, vector<150x64xbf16>, vector<1024x64xf32> -> vector<1024x64xf32>
    %convert_element_type3A_474 = arith.truncf %dot_general3A_473 : vector<1024x64xf32> to vector<1024x64xbf16>
    %dot_general3A_475 = arith.constant dense<0.000000e+00> : vector<1x64xf32>
    %dot_general3A_476 = tpu.matmul %convert_element_type3A_390, %convert_element_type3A_474, %dot_general3A_475 {dimension_numbers = #tpu.dot_dimension_numbers<[1], [0], [0], [1], [0, 0, 1, 1], [], []>, transpose_lhs_hint = false} : vector<1x1024xbf16>, vector<1024x64xbf16>, vector<1x64xf32> -> vector<1x64xf32>
    %dot_general3A_477 = arith.constant dense<0.000000e+00> : vector<1x64xf32>
    %dot_general3A_478 = tpu.matmul %convert_element_type3A_393, %convert_element_type3A_474, %dot_general3A_477 {dimension_numbers = #tpu.dot_dimension_numbers<[1], [0], [0], [1], [0, 0, 1, 1], [], []>, transpose_lhs_hint = false} : vector<1x1024xbf16>, vector<1024x64xbf16>, vector<1x64xf32> -> vector<1x64xf32>
    %add3A_479 = arith.addf %dot_general3A_476, %dot_general3A_478 : vector<1x64xf32>
    %mul3A_480 = arith.constant 1.000000e-03 : f32
    %mul3A_481 = vector.broadcast %mul3A_480 : f32 to vector<1x64xf32>
    %mul3A_482 = arith.mulf %add3A_479, %mul3A_481 : vector<1x64xf32>
    %add3A_483 = arith.addf %mul3A_482, %get3A_389 : vector<1x64xf32>
    %get3A_484 = arith.constant 6144 : index
    %get3A_485 = arith.constant 0 : index
    %get3A_486 = vector.load %arg32[%get3A_484, %get3A_485] : memref<16384x150xbf16, #tpu.memory_space<vmem>>, vector<1024x150xbf16>
    %dot_general3A_487 = arith.constant dense<0.000000e+00> : vector<1024x64xf32>
    %dot_general3A_488 = tpu.matmul %get3A_486, %get3A_386, %dot_general3A_487 {dimension_numbers = #tpu.dot_dimension_numbers<[1], [0], [0], [1], [0, 0, 1, 1], [], []>, transpose_lhs_hint = false} : vector<1024x150xbf16>, vector<150x64xbf16>, vector<1024x64xf32> -> vector<1024x64xf32>
    %convert_element_type3A_489 = arith.truncf %dot_general3A_488 : vector<1024x64xf32> to vector<1024x64xbf16>
    %dot_general3A_490 = arith.constant dense<0.000000e+00> : vector<1x64xf32>
    %dot_general3A_491 = tpu.matmul %convert_element_type3A_390, %convert_element_type3A_489, %dot_general3A_490 {dimension_numbers = #tpu.dot_dimension_numbers<[1], [0], [0], [1], [0, 0, 1, 1], [], []>, transpose_lhs_hint = false} : vector<1x1024xbf16>, vector<1024x64xbf16>, vector<1x64xf32> -> vector<1x64xf32>
    %dot_general3A_492 = arith.constant dense<0.000000e+00> : vector<1x64xf32>
    %dot_general3A_493 = tpu.matmul %convert_element_type3A_393, %convert_element_type3A_489, %dot_general3A_492 {dimension_numbers = #tpu.dot_dimension_numbers<[1], [0], [0], [1], [0, 0, 1, 1], [], []>, transpose_lhs_hint = false} : vector<1x1024xbf16>, vector<1024x64xbf16>, vector<1x64xf32> -> vector<1x64xf32>
    %add3A_494 = arith.addf %dot_general3A_491, %dot_general3A_493 : vector<1x64xf32>
    %mul3A_495 = arith.constant 1.000000e-03 : f32
    %mul3A_496 = vector.broadcast %mul3A_495 : f32 to vector<1x64xf32>
    %mul3A_497 = arith.mulf %add3A_494, %mul3A_496 : vector<1x64xf32>
    %add3A_498 = arith.addf %mul3A_497, %get3A_389 : vector<1x64xf32>
    %get3A_499 = arith.constant 7168 : index
    %get3A_500 = arith.constant 0 : index
    %get3A_501 = vector.load %arg32[%get3A_499, %get3A_500] : memref<16384x150xbf16, #tpu.memory_space<vmem>>, vector<1024x150xbf16>
    %dot_general3A_502 = arith.constant dense<0.000000e+00> : vector<1024x64xf32>
    %dot_general3A_503 = tpu.matmul %get3A_501, %get3A_386, %dot_general3A_502 {dimension_numbers = #tpu.dot_dimension_numbers<[1], [0], [0], [1], [0, 0, 1, 1], [], []>, transpose_lhs_hint = false} : vector<1024x150xbf16>, vector<150x64xbf16>, vector<1024x64xf32> -> vector<1024x64xf32>
    %convert_element_type3A_504 = arith.truncf %dot_general3A_503 : vector<1024x64xf32> to vector<1024x64xbf16>
    %dot_general3A_505 = arith.constant dense<0.000000e+00> : vector<1x64xf32>
    %dot_general3A_506 = tpu.matmul %convert_element_type3A_390, %convert_element_type3A_504, %dot_general3A_505 {dimension_numbers = #tpu.dot_dimension_numbers<[1], [0], [0], [1], [0, 0, 1, 1], [], []>, transpose_lhs_hint = false} : vector<1x1024xbf16>, vector<1024x64xbf16>, vector<1x64xf32> -> vector<1x64xf32>
    %dot_general3A_507 = arith.constant dense<0.000000e+00> : vector<1x64xf32>
    %dot_general3A_508 = tpu.matmul %convert_element_type3A_393, %convert_element_type3A_504, %dot_general3A_507 {dimension_numbers = #tpu.dot_dimension_numbers<[1], [0], [0], [1], [0, 0, 1, 1], [], []>, transpose_lhs_hint = false} : vector<1x1024xbf16>, vector<1024x64xbf16>, vector<1x64xf32> -> vector<1x64xf32>
    %add3A_509 = arith.addf %dot_general3A_506, %dot_general3A_508 : vector<1x64xf32>
    %mul3A_510 = arith.constant 1.000000e-03 : f32
    %mul3A_511 = vector.broadcast %mul3A_510 : f32 to vector<1x64xf32>
    %mul3A_512 = arith.mulf %add3A_509, %mul3A_511 : vector<1x64xf32>
    %add3A_513 = arith.addf %mul3A_512, %get3A_389 : vector<1x64xf32>
    %get3A_514 = arith.constant 8192 : index
    %get3A_515 = arith.constant 0 : index
    %get3A_516 = vector.load %arg32[%get3A_514, %get3A_515] : memref<16384x150xbf16, #tpu.memory_space<vmem>>, vector<1024x150xbf16>
    %dot_general3A_517 = arith.constant dense<0.000000e+00> : vector<1024x64xf32>
    %dot_general3A_518 = tpu.matmul %get3A_516, %get3A_386, %dot_general3A_517 {dimension_numbers = #tpu.dot_dimension_numbers<[1], [0], [0], [1], [0, 0, 1, 1], [], []>, transpose_lhs_hint = false} : vector<1024x150xbf16>, vector<150x64xbf16>, vector<1024x64xf32> -> vector<1024x64xf32>
    %convert_element_type3A_519 = arith.truncf %dot_general3A_518 : vector<1024x64xf32> to vector<1024x64xbf16>
    %dot_general3A_520 = arith.constant dense<0.000000e+00> : vector<1x64xf32>
    %dot_general3A_521 = tpu.matmul %convert_element_type3A_390, %convert_element_type3A_519, %dot_general3A_520 {dimension_numbers = #tpu.dot_dimension_numbers<[1], [0], [0], [1], [0, 0, 1, 1], [], []>, transpose_lhs_hint = false} : vector<1x1024xbf16>, vector<1024x64xbf16>, vector<1x64xf32> -> vector<1x64xf32>
    %dot_general3A_522 = arith.constant dense<0.000000e+00> : vector<1x64xf32>
    %dot_general3A_523 = tpu.matmul %convert_element_type3A_393, %convert_element_type3A_519, %dot_general3A_522 {dimension_numbers = #tpu.dot_dimension_numbers<[1], [0], [0], [1], [0, 0, 1, 1], [], []>, transpose_lhs_hint = false} : vector<1x1024xbf16>, vector<1024x64xbf16>, vector<1x64xf32> -> vector<1x64xf32>
    %add3A_524 = arith.addf %dot_general3A_521, %dot_general3A_523 : vector<1x64xf32>
    %mul3A_525 = arith.constant 1.000000e-03 : f32
    %mul3A_526 = vector.broadcast %mul3A_525 : f32 to vector<1x64xf32>
    %mul3A_527 = arith.mulf %add3A_524, %mul3A_526 : vector<1x64xf32>
    %add3A_528 = arith.addf %mul3A_527, %get3A_389 : vector<1x64xf32>
    %get3A_529 = arith.constant 9216 : index
    %get3A_530 = arith.constant 0 : index
    %get3A_531 = vector.load %arg32[%get3A_529, %get3A_530] : memref<16384x150xbf16, #tpu.memory_space<vmem>>, vector<1024x150xbf16>
    %dot_general3A_532 = arith.constant dense<0.000000e+00> : vector<1024x64xf32>
    %dot_general3A_533 = tpu.matmul %get3A_531, %get3A_386, %dot_general3A_532 {dimension_numbers = #tpu.dot_dimension_numbers<[1], [0], [0], [1], [0, 0, 1, 1], [], []>, transpose_lhs_hint = false} : vector<1024x150xbf16>, vector<150x64xbf16>, vector<1024x64xf32> -> vector<1024x64xf32>
    %convert_element_type3A_534 = arith.truncf %dot_general3A_533 : vector<1024x64xf32> to vector<1024x64xbf16>
    %dot_general3A_535 = arith.constant dense<0.000000e+00> : vector<1x64xf32>
    %dot_general3A_536 = tpu.matmul %convert_element_type3A_390, %convert_element_type3A_534, %dot_general3A_535 {dimension_numbers = #tpu.dot_dimension_numbers<[1], [0], [0], [1], [0, 0, 1, 1], [], []>, transpose_lhs_hint = false} : vector<1x1024xbf16>, vector<1024x64xbf16>, vector<1x64xf32> -> vector<1x64xf32>
    %dot_general3A_537 = arith.constant dense<0.000000e+00> : vector<1x64xf32>
    %dot_general3A_538 = tpu.matmul %convert_element_type3A_393, %convert_element_type3A_534, %dot_general3A_537 {dimension_numbers = #tpu.dot_dimension_numbers<[1], [0], [0], [1], [0, 0, 1, 1], [], []>, transpose_lhs_hint = false} : vector<1x1024xbf16>, vector<1024x64xbf16>, vector<1x64xf32> -> vector<1x64xf32>
    %add3A_539 = arith.addf %dot_general3A_536, %dot_general3A_538 : vector<1x64xf32>
    %mul3A_540 = arith.constant 1.000000e-03 : f32
    %mul3A_541 = vector.broadcast %mul3A_540 : f32 to vector<1x64xf32>
    %mul3A_542 = arith.mulf %add3A_539, %mul3A_541 : vector<1x64xf32>
    %add3A_543 = arith.addf %mul3A_542, %get3A_389 : vector<1x64xf32>
    %get3A_544 = arith.constant 10240 : index
    %get3A_545 = arith.constant 0 : index
    %get3A_546 = vector.load %arg32[%get3A_544, %get3A_545] : memref<16384x150xbf16, #tpu.memory_space<vmem>>, vector<1024x150xbf16>
    %dot_general3A_547 = arith.constant dense<0.000000e+00> : vector<1024x64xf32>
    %dot_general3A_548 = tpu.matmul %get3A_546, %get3A_386, %dot_general3A_547 {dimension_numbers = #tpu.dot_dimension_numbers<[1], [0], [0], [1], [0, 0, 1, 1], [], []>, transpose_lhs_hint = false} : vector<1024x150xbf16>, vector<150x64xbf16>, vector<1024x64xf32> -> vector<1024x64xf32>
    %convert_element_type3A_549 = arith.truncf %dot_general3A_548 : vector<1024x64xf32> to vector<1024x64xbf16>
    %dot_general3A_550 = arith.constant dense<0.000000e+00> : vector<1x64xf32>
    %dot_general3A_551 = tpu.matmul %convert_element_type3A_390, %convert_element_type3A_549, %dot_general3A_550 {dimension_numbers = #tpu.dot_dimension_numbers<[1], [0], [0], [1], [0, 0, 1, 1], [], []>, transpose_lhs_hint = false} : vector<1x1024xbf16>, vector<1024x64xbf16>, vector<1x64xf32> -> vector<1x64xf32>
    %dot_general3A_552 = arith.constant dense<0.000000e+00> : vector<1x64xf32>
    %dot_general3A_553 = tpu.matmul %convert_element_type3A_393, %convert_element_type3A_549, %dot_general3A_552 {dimension_numbers = #tpu.dot_dimension_numbers<[1], [0], [0], [1], [0, 0, 1, 1], [], []>, transpose_lhs_hint = false} : vector<1x1024xbf16>, vector<1024x64xbf16>, vector<1x64xf32> -> vector<1x64xf32>
    %add3A_554 = arith.addf %dot_general3A_551, %dot_general3A_553 : vector<1x64xf32>
    %mul3A_555 = arith.constant 1.000000e-03 : f32
    %mul3A_556 = vector.broadcast %mul3A_555 : f32 to vector<1x64xf32>
    %mul3A_557 = arith.mulf %add3A_554, %mul3A_556 : vector<1x64xf32>
    %add3A_558 = arith.addf %mul3A_557, %get3A_389 : vector<1x64xf32>
    %get3A_559 = arith.constant 11264 : index
    %get3A_560 = arith.constant 0 : index
    %get3A_561 = vector.load %arg32[%get3A_559, %get3A_560] : memref<16384x150xbf16, #tpu.memory_space<vmem>>, vector<1024x150xbf16>
    %dot_general3A_562 = arith.constant dense<0.000000e+00> : vector<1024x64xf32>
    %dot_general3A_563 = tpu.matmul %get3A_561, %get3A_386, %dot_general3A_562 {dimension_numbers = #tpu.dot_dimension_numbers<[1], [0], [0], [1], [0, 0, 1, 1], [], []>, transpose_lhs_hint = false} : vector<1024x150xbf16>, vector<150x64xbf16>, vector<1024x64xf32> -> vector<1024x64xf32>
    %convert_element_type3A_564 = arith.truncf %dot_general3A_563 : vector<1024x64xf32> to vector<1024x64xbf16>
    %dot_general3A_565 = arith.constant dense<0.000000e+00> : vector<1x64xf32>
    %dot_general3A_566 = tpu.matmul %convert_element_type3A_390, %convert_element_type3A_564, %dot_general3A_565 {dimension_numbers = #tpu.dot_dimension_numbers<[1], [0], [0], [1], [0, 0, 1, 1], [], []>, transpose_lhs_hint = false} : vector<1x1024xbf16>, vector<1024x64xbf16>, vector<1x64xf32> -> vector<1x64xf32>
    %dot_general3A_567 = arith.constant dense<0.000000e+00> : vector<1x64xf32>
    %dot_general3A_568 = tpu.matmul %convert_element_type3A_393, %convert_element_type3A_564, %dot_general3A_567 {dimension_numbers = #tpu.dot_dimension_numbers<[1], [0], [0], [1], [0, 0, 1, 1], [], []>, transpose_lhs_hint = false} : vector<1x1024xbf16>, vector<1024x64xbf16>, vector<1x64xf32> -> vector<1x64xf32>
    %add3A_569 = arith.addf %dot_general3A_566, %dot_general3A_568 : vector<1x64xf32>
    %mul3A_570 = arith.constant 1.000000e-03 : f32
    %mul3A_571 = vector.broadcast %mul3A_570 : f32 to vector<1x64xf32>
    %mul3A_572 = arith.mulf %add3A_569, %mul3A_571 : vector<1x64xf32>
    %add3A_573 = arith.addf %mul3A_572, %get3A_389 : vector<1x64xf32>
    %get3A_574 = arith.constant 12288 : index
    %get3A_575 = arith.constant 0 : index
    %get3A_576 = vector.load %arg32[%get3A_574, %get3A_575] : memref<16384x150xbf16, #tpu.memory_space<vmem>>, vector<1024x150xbf16>
    %dot_general3A_577 = arith.constant dense<0.000000e+00> : vector<1024x64xf32>
    %dot_general3A_578 = tpu.matmul %get3A_576, %get3A_386, %dot_general3A_577 {dimension_numbers = #tpu.dot_dimension_numbers<[1], [0], [0], [1], [0, 0, 1, 1], [], []>, transpose_lhs_hint = false} : vector<1024x150xbf16>, vector<150x64xbf16>, vector<1024x64xf32> -> vector<1024x64xf32>
    %convert_element_type3A_579 = arith.truncf %dot_general3A_578 : vector<1024x64xf32> to vector<1024x64xbf16>
    %dot_general3A_580 = arith.constant dense<0.000000e+00> : vector<1x64xf32>
    %dot_general3A_581 = tpu.matmul %convert_element_type3A_390, %convert_element_type3A_579, %dot_general3A_580 {dimension_numbers = #tpu.dot_dimension_numbers<[1], [0], [0], [1], [0, 0, 1, 1], [], []>, transpose_lhs_hint = false} : vector<1x1024xbf16>, vector<1024x64xbf16>, vector<1x64xf32> -> vector<1x64xf32>
    %dot_general3A_582 = arith.constant dense<0.000000e+00> : vector<1x64xf32>
    %dot_general3A_583 = tpu.matmul %convert_element_type3A_393, %convert_element_type3A_579, %dot_general3A_582 {dimension_numbers = #tpu.dot_dimension_numbers<[1], [0], [0], [1], [0, 0, 1, 1], [], []>, transpose_lhs_hint = false} : vector<1x1024xbf16>, vector<1024x64xbf16>, vector<1x64xf32> -> vector<1x64xf32>
    %add3A_584 = arith.addf %dot_general3A_581, %dot_general3A_583 : vector<1x64xf32>
    %mul3A_585 = arith.constant 1.000000e-03 : f32
    %mul3A_586 = vector.broadcast %mul3A_585 : f32 to vector<1x64xf32>
    %mul3A_587 = arith.mulf %add3A_584, %mul3A_586 : vector<1x64xf32>
    %add3A_588 = arith.addf %mul3A_587, %get3A_389 : vector<1x64xf32>
    %get3A_589 = arith.constant 13312 : index
    %get3A_590 = arith.constant 0 : index
    %get3A_591 = vector.load %arg32[%get3A_589, %get3A_590] : memref<16384x150xbf16, #tpu.memory_space<vmem>>, vector<1024x150xbf16>
    %dot_general3A_592 = arith.constant dense<0.000000e+00> : vector<1024x64xf32>
    %dot_general3A_593 = tpu.matmul %get3A_591, %get3A_386, %dot_general3A_592 {dimension_numbers = #tpu.dot_dimension_numbers<[1], [0], [0], [1], [0, 0, 1, 1], [], []>, transpose_lhs_hint = false} : vector<1024x150xbf16>, vector<150x64xbf16>, vector<1024x64xf32> -> vector<1024x64xf32>
    %convert_element_type3A_594 = arith.truncf %dot_general3A_593 : vector<1024x64xf32> to vector<1024x64xbf16>
    %dot_general3A_595 = arith.constant dense<0.000000e+00> : vector<1x64xf32>
    %dot_general3A_596 = tpu.matmul %convert_element_type3A_390, %convert_element_type3A_594, %dot_general3A_595 {dimension_numbers = #tpu.dot_dimension_numbers<[1], [0], [0], [1], [0, 0, 1, 1], [], []>, transpose_lhs_hint = false} : vector<1x1024xbf16>, vector<1024x64xbf16>, vector<1x64xf32> -> vector<1x64xf32>
    %dot_general3A_597 = arith.constant dense<0.000000e+00> : vector<1x64xf32>
    %dot_general3A_598 = tpu.matmul %convert_element_type3A_393, %convert_element_type3A_594, %dot_general3A_597 {dimension_numbers = #tpu.dot_dimension_numbers<[1], [0], [0], [1], [0, 0, 1, 1], [], []>, transpose_lhs_hint = false} : vector<1x1024xbf16>, vector<1024x64xbf16>, vector<1x64xf32> -> vector<1x64xf32>
    %add3A_599 = arith.addf %dot_general3A_596, %dot_general3A_598 : vector<1x64xf32>
    %mul3A_600 = arith.constant 1.000000e-03 : f32
    %mul3A_601 = vector.broadcast %mul3A_600 : f32 to vector<1x64xf32>
    %mul3A_602 = arith.mulf %add3A_599, %mul3A_601 : vector<1x64xf32>
    %add3A_603 = arith.addf %mul3A_602, %get3A_389 : vector<1x64xf32>
    %get3A_604 = arith.constant 14336 : index
    %get3A_605 = arith.constant 0 : index
    %get3A_606 = vector.load %arg32[%get3A_604, %get3A_605] : memref<16384x150xbf16, #tpu.memory_space<vmem>>, vector<1024x150xbf16>
    %dot_general3A_607 = arith.constant dense<0.000000e+00> : vector<1024x64xf32>
    %dot_general3A_608 = tpu.matmul %get3A_606, %get3A_386, %dot_general3A_607 {dimension_numbers = #tpu.dot_dimension_numbers<[1], [0], [0], [1], [0, 0, 1, 1], [], []>, transpose_lhs_hint = false} : vector<1024x150xbf16>, vector<150x64xbf16>, vector<1024x64xf32> -> vector<1024x64xf32>
    %convert_element_type3A_609 = arith.truncf %dot_general3A_608 : vector<1024x64xf32> to vector<1024x64xbf16>
    %dot_general3A_610 = arith.constant dense<0.000000e+00> : vector<1x64xf32>
    %dot_general3A_611 = tpu.matmul %convert_element_type3A_390, %convert_element_type3A_609, %dot_general3A_610 {dimension_numbers = #tpu.dot_dimension_numbers<[1], [0], [0], [1], [0, 0, 1, 1], [], []>, transpose_lhs_hint = false} : vector<1x1024xbf16>, vector<1024x64xbf16>, vector<1x64xf32> -> vector<1x64xf32>
    %dot_general3A_612 = arith.constant dense<0.000000e+00> : vector<1x64xf32>
    %dot_general3A_613 = tpu.matmul %convert_element_type3A_393, %convert_element_type3A_609, %dot_general3A_612 {dimension_numbers = #tpu.dot_dimension_numbers<[1], [0], [0], [1], [0, 0, 1, 1], [], []>, transpose_lhs_hint = false} : vector<1x1024xbf16>, vector<1024x64xbf16>, vector<1x64xf32> -> vector<1x64xf32>
    %add3A_614 = arith.addf %dot_general3A_611, %dot_general3A_613 : vector<1x64xf32>
    %mul3A_615 = arith.constant 1.000000e-03 : f32
    %mul3A_616 = vector.broadcast %mul3A_615 : f32 to vector<1x64xf32>
    %mul3A_617 = arith.mulf %add3A_614, %mul3A_616 : vector<1x64xf32>
    %add3A_618 = arith.addf %mul3A_617, %get3A_389 : vector<1x64xf32>
    %get3A_619 = arith.constant 15360 : index
    %get3A_620 = arith.constant 0 : index
    %get3A_621 = vector.load %arg32[%get3A_619, %get3A_620] : memref<16384x150xbf16, #tpu.memory_space<vmem>>, vector<1024x150xbf16>
    %dot_general3A_622 = arith.constant dense<0.000000e+00> : vector<1024x64xf32>
    %dot_general3A_623 = tpu.matmul %get3A_621, %get3A_386, %dot_general3A_622 {dimension_numbers = #tpu.dot_dimension_numbers<[1], [0], [0], [1], [0, 0, 1, 1], [], []>, transpose_lhs_hint = false} : vector<1024x150xbf16>, vector<150x64xbf16>, vector<1024x64xf32> -> vector<1024x64xf32>
    %convert_element_type3A_624 = arith.truncf %dot_general3A_623 : vector<1024x64xf32> to vector<1024x64xbf16>
    %dot_general3A_625 = arith.constant dense<0.000000e+00> : vector<1x64xf32>
    %dot_general3A_626 = tpu.matmul %convert_element_type3A_390, %convert_element_type3A_624, %dot_general3A_625 {dimension_numbers = #tpu.dot_dimension_numbers<[1], [0], [0], [1], [0, 0, 1, 1], [], []>, transpose_lhs_hint = false} : vector<1x1024xbf16>, vector<1024x64xbf16>, vector<1x64xf32> -> vector<1x64xf32>
    %dot_general3A_627 = arith.constant dense<0.000000e+00> : vector<1x64xf32>
    %dot_general3A_628 = tpu.matmul %convert_element_type3A_393, %convert_element_type3A_624, %dot_general3A_627 {dimension_numbers = #tpu.dot_dimension_numbers<[1], [0], [0], [1], [0, 0, 1, 1], [], []>, transpose_lhs_hint = false} : vector<1x1024xbf16>, vector<1024x64xbf16>, vector<1x64xf32> -> vector<1x64xf32>
    %add3A_629 = arith.addf %dot_general3A_626, %dot_general3A_628 : vector<1x64xf32>
    %mul3A_630 = arith.constant 1.000000e-03 : f32
    %mul3A_631 = vector.broadcast %mul3A_630 : f32 to vector<1x64xf32>
    %mul3A_632 = arith.mulf %add3A_629, %mul3A_631 : vector<1x64xf32>
    %add3A_633 = arith.addf %mul3A_632, %get3A_389 : vector<1x64xf32>
    %concatenate3A_634 = tpu.concatenate %add3A_408, %add3A_423, %add3A_438, %add3A_453, %add3A_468, %add3A_483, %add3A_498, %add3A_513, %add3A_528, %add3A_543, %add3A_558, %add3A_573, %add3A_588, %add3A_603, %add3A_618, %add3A_633 in 0 : vector<1x64xf32>, vector<1x64xf32>, vector<1x64xf32>, vector<1x64xf32>, vector<1x64xf32>, vector<1x64xf32>, vector<1x64xf32>, vector<1x64xf32>, vector<1x64xf32>, vector<1x64xf32>, vector<1x64xf32>, vector<1x64xf32>, vector<1x64xf32>, vector<1x64xf32>, vector<1x64xf32>, vector<1x64xf32> -> vector<16x64xf32>
    %get3A_635 = arith.constant 0 : index
    %get3A_636 = arith.constant 0 : index
    %get3A_637 = vector.load %arg4[%get3A_635, %get3A_636] : memref<16x8xf32, #tpu.memory_space<vmem>>, vector<16x8xf32>
    %concatenate3A_638 = tpu.concatenate %concatenate3A_309, %concatenate3A_634, %get3A_637 in 1 : vector<16x64xf32>, vector<16x64xf32>, vector<16x8xf32> -> vector<16x136xf32>
    %swap3A_639 = arith.constant 0 : index
    %swap3A_640 = arith.constant 0 : index
    %swap3A_641 = vector.load %arg30[%swap3A_639, %swap3A_640] : memref<16x136xf32, #tpu.memory_space<vmem>>, vector<16x136xf32>
    tpu.vector_store %arg30[%swap3A_639, %swap3A_640], %concatenate3A_638 {strides = array<i32>} : memref<16x136xf32, #tpu.memory_space<vmem>>, vector<16x136xf32>,
    %get3A_642 = arith.constant 0 : index
    %get3A_643 = arith.constant 0 : index
    %get3A_644 = vector.load %arg22[%get3A_642, %get3A_643] : memref<136x128xf32, #tpu.memory_space<vmem>>, vector<136x128xf32>
    %dot_general3A_645 = arith.constant dense<0.000000e+00> : vector<16x128xf32>
    %dot_general3A_646 = tpu.matmul %concatenate3A_638, %get3A_644, %dot_general3A_645 {dimension_numbers = #tpu.dot_dimension_numbers<[1], [0], [0], [1], [0, 0, 1, 1], [], []>, precision = #tpu.contract_precision<fp32>, transpose_lhs_hint = false} : vector<16x136xf32>, vector<136x128xf32>, vector<16x128xf32> -> vector<16x128xf32>
    %get3A_647 = arith.constant 0 : index
    %get3A_648 = arith.constant 0 : index
    %get3A_649 = vector.load %arg23[%get3A_647, %get3A_648] : memref<1x128xf32, #tpu.memory_space<vmem>>, vector<1x128xf32>
    %add3A_650 = vector.broadcast %get3A_649 : vector<1x128xf32> to vector<16x128xf32>
    %add3A_651 = arith.addf %dot_general3A_646, %add3A_650 : vector<16x128xf32>
    %tanh3A = math.tanh %add3A_651 : vector<16x128xf32>
    %get3A_652 = arith.constant 0 : index
    %get3A_653 = arith.constant 0 : index
    %get3A_654 = vector.load %arg24[%get3A_652, %get3A_653] : memref<128x128xf32, #tpu.memory_space<vmem>>, vector<128x128xf32>
    %dot_general3A_655 = arith.constant dense<0.000000e+00> : vector<16x128xf32>
    %dot_general3A_656 = tpu.matmul %tanh3A, %get3A_654, %dot_general3A_655 {dimension_numbers = #tpu.dot_dimension_numbers<[1], [0], [0], [1], [0, 0, 1, 1], [], []>, precision = #tpu.contract_precision<fp32>, transpose_lhs_hint = false} : vector<16x128xf32>, vector<128x128xf32>, vector<16x128xf32> -> vector<16x128xf32>
    %get3A_657 = arith.constant 0 : index
    %get3A_658 = arith.constant 0 : index
    %get3A_659 = vector.load %arg25[%get3A_657, %get3A_658] : memref<1x128xf32, #tpu.memory_space<vmem>>, vector<1x128xf32>
    %add3A_660 = vector.broadcast %get3A_659 : vector<1x128xf32> to vector<16x128xf32>
    %add3A_661 = arith.addf %dot_general3A_656, %add3A_660 : vector<16x128xf32>
    %tanh3A_662 = math.tanh %add3A_661 : vector<16x128xf32>
    %get3A_663 = arith.constant 0 : index
    %get3A_664 = arith.constant 0 : index
    %get3A_665 = vector.load %arg26[%get3A_663, %get3A_664] : memref<128x64xf32, #tpu.memory_space<vmem>>, vector<128x64xf32>
    %dot_general3A_666 = arith.constant dense<0.000000e+00> : vector<16x64xf32>
    %dot_general3A_667 = tpu.matmul %tanh3A_662, %get3A_665, %dot_general3A_666 {dimension_numbers = #tpu.dot_dimension_numbers<[1], [0], [0], [1], [0, 0, 1, 1], [], []>, precision = #tpu.contract_precision<fp32>, transpose_lhs_hint = false} : vector<16x128xf32>, vector<128x64xf32>, vector<16x64xf32> -> vector<16x64xf32>
    %get3A_668 = arith.constant 0 : index
    %get3A_669 = arith.constant 0 : index
    %get3A_670 = vector.load %arg27[%get3A_668, %get3A_669] : memref<1x64xf32, #tpu.memory_space<vmem>>, vector<1x64xf32>
    %add3A_671 = vector.broadcast %get3A_670 : vector<1x64xf32> to vector<16x64xf32>
    %add3A_672 = arith.addf %dot_general3A_667, %add3A_671 : vector<16x64xf32>
    %tanh3A_673 = math.tanh %add3A_672 : vector<16x64xf32>
    %get3A_674 = arith.constant 0 : index
    %get3A_675 = arith.constant 0 : index
    %get3A_676 = vector.load %arg28[%get3A_674, %get3A_675] : memref<64x11xf32, #tpu.memory_space<vmem>>, vector<64x11xf32>
    %dot_general3A_677 = arith.constant dense<0.000000e+00> : vector<16x11xf32>
    %dot_general3A_678 = tpu.matmul %tanh3A_673, %get3A_676, %dot_general3A_677 {dimension_numbers = #tpu.dot_dimension_numbers<[1], [0], [0], [1], [0, 0, 1, 1], [], []>, precision = #tpu.contract_precision<fp32>, transpose_lhs_hint = false} : vector<16x64xf32>, vector<64x11xf32>, vector<16x11xf32> -> vector<16x11xf32>
    %get3A_679 = arith.constant 0 : index
    %get3A_680 = arith.constant 0 : index
    %get3A_681 = vector.load %arg29[%get3A_679, %get3A_680] : memref<1x11xf32, #tpu.memory_space<vmem>>, vector<1x11xf32>
    %add3A_682 = vector.broadcast %get3A_681 : vector<1x11xf32> to vector<16x11xf32>
    %add3A_683 = arith.addf %dot_general3A_678, %add3A_682 : vector<16x11xf32>
    %get3A_684 = arith.constant 0 : index
    %get3A_685 = arith.constant 0 : index
    %get3A_686 = vector.load %arg5[%get3A_684, %get3A_685] : memref<16x11xf32, #tpu.memory_space<vmem>>, vector<16x11xf32>
    %ne3A = arith.constant 0.000000e+00 : f32
    %ne3A_687 = vector.broadcast %ne3A : f32 to vector<16x11xf32>
    %ne3A_688 = arith.cmpf one, %get3A_686, %ne3A_687 : vector<16x11xf32>
    %jit3A_689 = arith.constant 0xFF800000 : f32
    %broadcast_in_dim3A_690 = vector.broadcast %jit3A_689 : f32 to vector<16x11xf32>
    %select_n3A_691 = arith.select %ne3A_688, %broadcast_in_dim3A_690, %add3A_683 : vector<16x11xi1>, vector<16x11xf32>
    %reduce_max3A = arith.constant dense<0xFF800000> : vector<16xf32>
    %reduce_max3A_692 = vector.multi_reduction <maximumf>, %select_n3A_691, %reduce_max3A [1] : vector<16x11xf32> to vector<16xf32>
    %broadcast_in_dim3A_693 = vector.shape_cast %reduce_max3A_692 : vector<16xf32> to vector<16x1xf32>
    %sub3A_694 = vector.broadcast %broadcast_in_dim3A_693 : vector<16x1xf32> to vector<16x11xf32>
    %sub3A_695 = arith.subf %select_n3A_691, %sub3A_694 : vector<16x11xf32>
    %exp3A = math.exp %sub3A_695 : vector<16x11xf32>
    %reduce_sum3A = arith.constant dense<0.000000e+00> : vector<16xf32>
    %reduce_sum3A_696 = vector.multi_reduction <add>, %exp3A, %reduce_sum3A [1] : vector<16x11xf32> to vector<16xf32>
    %broadcast_in_dim3A_697 = vector.shape_cast %reduce_sum3A_696 : vector<16xf32> to vector<16x1xf32>
    %log3A = math.log %broadcast_in_dim3A_697 : vector<16x1xf32>
    %add3A_698 = arith.addf %log3A, %broadcast_in_dim3A_693 : vector<16x1xf32>
    %sub3A_699 = vector.broadcast %add3A_698 : vector<16x1xf32> to vector<16x11xf32>
    %sub3A_700 = arith.subf %select_n3A_691, %sub3A_699 : vector<16x11xf32>
    %swap3A_701 = arith.constant 0 : index
    %swap3A_702 = arith.constant 0 : index
    %swap3A_703 = vector.load %arg31[%swap3A_701, %swap3A_702] : memref<16x11xf32, #tpu.memory_space<vmem>>, vector<16x11xf32>
    tpu.vector_store %arg31[%swap3A_701, %swap3A_702], %sub3A_700 {strides = array<i32>} : memref<16x11xf32, #tpu.memory_space<vmem>>, vector<16x11xf32>,
    return
  }
}

</mosaic_0001>

<sc_bundles>
// kernel: kernel.4.cloned.1.call-start
scs
__scs_entry_jumppad:
0x0: {  	(pc) =	sbr.rel $0x88, $3  }
0x1: {  	(tag) =	ssettag $0x0;
	lr =	simm.s32 $0x1  }
0x2: {  	[smem:$0x3F83] =	sst lr;
	_ =	strace $0xD0000000  }
0x3: {  	_ = 	snop  }
0x4: {  	_ = 	snop  }
0x5: {  	_ = 	snop  }
0x6: {  	_ = 	snop  }
0x7: {  	_ = 	snop  }
__scs_overlays_trampoline_lowered:
0x8: {  	[smem:$0x3F92] =	sst s0  }
0x9: {  	[smem:$0x3F93] =	sst s1  }
0xa: {  	[smem:$0x3F94] =	sst s2  }
0xb: {  	[smem:$0x3F95] =	sst s3  }
0xc: {  	[smem:$0x3F96] =	sst s4  }
0xd: {  	[smem:$0x3F97] =	sst s5  }
0xe: {  	[smem:$0x3F98] =	sst s6  }
0xf: {  	[smem:$0x3F99] =	sst s7  }
0x10: {  	[smem:$0x3F9A] =	sst s8  }
0x11: {  	[smem:$0x3F9B] =	sst s9;
	s0 =	simm.s32 @!p0 $0x0  }
0x12: {  	s1 =	sld [smem:$0x3F81];
	s0 =	simm.s32 @p0 $0x1  }
0x13: {  	[smem:$0x3F9C] =	sst s0;
	s0 =	simm.s32 @!p1 $0x0  }
0x14: {  	s2 =	sld [smem:$0x3F80];
	s0 =	simm.s32 @p1 $0x1  }
0x15: {  	[smem:$0x3F9D] =	sst s0;
	s0 =	simm.s32 @!p2 $0x0  }
0x16: {  	s3 =	sld [smem:$0x3FDB];
	s0 =	simm.s32 @p2 $0x1  }
0x17: {  	s4 =	simm.s32 $0x1BF5;
	[smem:$0x3F9F] =	sst s0  }
0x18: {  	s0 =	sld [smem:$0x3F82];
	_ =	swait.ge [sflag:s4], $0x0  }
0x19: {  	s7 =	sld [smem:$0x3F83]  }
0x1a: {  	s8 =	sadd.s32 $0xFFFFE003, lr  }
0x1b: {  	s9 =	sadd.s32 $0xFFFFFEF7, lr;
	s5 =	simm.s32 $0xFFFFFFFF;
	p2 =	slt.u32 s8, $0xFFFFF086  }
0x1c: {  	p1 =	slt.u32 s9, $0xF7A;
	s5 =	simm.s32 @!p2 $0x0  }
0x1d: {  	s5 =	simm.s32 @p1 $0x1;
	p0 =	seq.s32 s7, s2  }
0x1e: {  	s7 =	smul.u32 @!p0 $0xF7A, s2;
	p2 =	seq.s32 @!p0 s5, $0x0  }
0x1f: {  	s9 =	smul.u32 $0xF7A, s1;
	s8 =	simm.s32 @!p0 $0x1BF5;
	p2 =	por !p2, p0  }
0x20: {  	[sflag:s8] =	ssyncset.s32 @!p0 $0xFFFFF086;
	s6 =	sadd.s32 @!p0 s3, s7;
	s7 =	simm.s32 @!p0 $0x108  }
0x21: {  	s3 =	sadd.s32 s3, s9;
	s6 =	sadd.s32 @!p0 $0x88, s6;
	s7 =	simm.s32 @p2 $0x1082  }
0x22: {  	[simem:s7], [sflag:s8] =	dma.local @!p0 [hbm:s6], $0xF7A  }
0x23: {  	s9 =	sor.u32 $0xD0000000, s2;
	s6 =	simm.s32 $0x108;
	_ =	swait.ge @!p0 [sflag:s8], $0x0  }
0x24: {  	s3 =	sadd.s32 $0x88, s3;
	s6 =	simm.s32 @!p1 $0x1082;
	[sflag:s4] =	ssyncset.s32 $0xFFFFF086  }
0x25: {  	[simem:s6], [sflag:s4] =	dma.local [hbm:s3], $0xF7A  }
0x26: {  	[smem:$0x3F83] =	sst s1;
	(tag) =	ssettag s2;
	_ =	strace s9  }
0x27: {  	s1 =	sld [smem:$0x3F93]  }
0x28: {  	s2 =	sld [smem:$0x3F94]  }
0x29: {  	s4 =	sld [smem:$0x3F96]  }
0x2a: {  	p0 =	seq.s32 s5, $0x0;
	s5 =	sld [smem:$0x3F97]  }
0x2b: {  	s6 =	sld [smem:$0x3F98]  }
0x2c: {  	s7 =	sld [smem:$0x3F99]  }
0x2d: {  	s3 =	simm.s32 $0x108;
	s8 =	sld [smem:$0x3F9A]  }
0x2e: {  	s3 =	simm.s32 @!p0 $0x1082;
	s9 =	sld [smem:$0x3F9B]  }
0x2f: {  	lr =	sadd.s32 s0, s3;
	s0 =	sld [smem:$0x3F92]  }
0x30: {  	s3 =	sld [smem:$0x3F95]  }
0x31: {  	[smem:$0x3F9E] =	sst s10  }
0x32: {  	s10 =	sld [smem:$0x3F9C];
	_ =	sdelay $0x3  }
0x33: {  	p0 =	seq.s32 s10, $0x1;
	s10 =	sld [smem:$0x3F9E];
	_ =	sdelay $0x3  }
0x34: {  	[smem:$0x3F9E] =	sst s10  }
0x35: {  	s10 =	sld [smem:$0x3F9D];
	_ =	sdelay $0x3  }
0x36: {  	p1 =	seq.s32 s10, $0x1;
	s10 =	sld [smem:$0x3F9E];
	_ =	sdelay $0x3  }
0x37: {  	[smem:$0x3F9E] =	sst s10  }
0x38: {  	s10 =	sld [smem:$0x3F9F]  }
0x39: {  	_ = 	snop;
	(pc) =	sbr.ind lr, $3  }
0x3a: {  	_ = 	snop  }
0x3b: {  	_ = 	snop  }
0x3c: {  	p2 =	seq.s32 s10, $0x1;
	s10 =	sld [smem:$0x3F9E]  }
0x3d: {  	_ =	shalt  }
0x3e: {  	_ =	shalt  }
0x3f: {  	_ =	shalt  }
0x40: {  	_ =	shalt  }
0x41: {  	_ =	shalt  }
0x42: {  	_ =	shalt  }
0x43: {  	_ =	shalt  }
0x44: {  	_ =	shalt  }
0x45: {  	_ =	shalt  }
0x46: {  	_ =	shalt  }
0x47: {  	_ =	shalt  }
0x48: {  	_ =	shalt  }
0x49: {  	_ =	shalt  }
0x4a: {  	_ =	shalt  }
0x4b: {  	_ =	shalt  }
0x4c: {  	_ =	shalt  }
0x4d: {  	_ =	shalt  }
0x4e: {  	_ =	shalt  }
0x4f: {  	_ =	shalt  }
0x50: {  	_ =	shalt  }
0x51: {  	_ =	shalt  }
0x52: {  	_ =	shalt  }
0x53: {  	_ =	shalt  }
0x54: {  	_ =	shalt  }
0x55: {  	_ =	shalt  }
0x56: {  	_ =	shalt  }
0x57: {  	_ =	shalt  }
0x58: {  	_ =	shalt  }
0x59: {  	_ =	shalt  }
0x5a: {  	_ =	shalt  }
0x5b: {  	_ =	shalt  }
0x5c: {  	_ =	shalt  }
0x5d: {  	_ =	shalt  }
0x5e: {  	_ =	shalt  }
0x5f: {  	_ =	shalt  }
0x60: {  	_ =	shalt  }
0x61: {  	_ =	shalt  }
0x62: {  	_ =	shalt  }
0x63: {  	_ =	shalt  }
0x64: {  	_ =	shalt  }
0x65: {  	_ =	shalt  }
0x66: {  	_ =	shalt  }
0x67: {  	_ =	shalt  }
0x68: {  	_ =	shalt  }
0x69: {  	_ =	shalt  }
0x6a: {  	_ =	shalt  }
0x6b: {  	_ =	shalt  }
0x6c: {  	_ =	shalt  }
0x6d: {  	_ =	shalt  }
0x6e: {  	_ =	shalt  }
0x6f: {  	_ =	shalt  }
0x70: {  	_ =	shalt  }
0x71: {  	_ =	shalt  }
0x72: {  	_ =	shalt  }
0x73: {  	_ =	shalt  }
0x74: {  	_ =	shalt  }
0x75: {  	_ =	shalt  }
0x76: {  	_ =	shalt  }
0x77: {  	_ =	shalt  }
0x78: {  	_ =	shalt  }
0x79: {  	_ =	shalt  }
0x7a: {  	_ =	shalt  }
0x7b: {  	_ =	shalt  }
0x7c: {  	_ =	shalt  }
0x7d: {  	_ =	shalt  }
0x7e: {  	_ =	shalt  }
0x7f: {  	_ =	shalt  }
0x80: {  	_ =	shalt  }
0x81: {  	_ =	shalt  }
0x82: {  	_ =	shalt  }
0x83: {  	_ =	shalt  }
0x84: {  	_ =	shalt  }
0x85: {  	_ =	shalt  }
0x86: {  	_ =	shalt  }
0x87: {  	_ =	shalt  }
.Lfunc_end0:
.L_simem_size_0:
called_computation_lowered:
.L_overlay_start_0:
0x88: {  	s2 =	sld [smem:$0x3FD9]  }
0x89: {  	s3 =	sld [smem:$0x3FFE];
	_ =	sdelay $0x1  }
0x8a: {  	s1 =	srdreg.scid  }
0x8b: {  	s0 =	sand.u32 $0x1, s1  }
0x8c: {  	s16 =	sshll.u32 s0, $0xA;
	s2 =	sadd.s32 s3, s2  }
0x8d: {  	s2 =	sadd.s32 s2, s16  }
0x8e: {  	[smem:$0x3FAA] =	sst s2  }
0x8f: {  	_ = 	snop  }
0x90: {  	(tm) =	ssettm $0x1  }
0x91: {  	s17 =	sld [smem:$0x3FFB];
	_ =	sdelay $0x3  }
0x92: {  	_ =	strace s17  }
0x93: {  	s2 =	sld [smem:$0x3FFC];
	_ =	sdelay $0x3  }
0x94: {  	_ =	strace s2  }
0x95: {  	s2 =	sld [smem:$0x3FFD];
	_ =	sdelay $0x3  }
0x96: {  	_ =	strace s2  }
0x97: {  	_ =	strace $0x8FFFFFFF  }
0x98: {  	s18 =	sld [smem:$0x3FDB];
	_ =	sdelay $0x1  }
0x99: {  	s19 =	simm.s32 $_scs_section_size  }
0x9a: {  	s4 =	simm.s32 $_size__tile_overlayer_lowered;
	s5 =	simm.s32 $_tile_overlayer_lowered  }
0x9b: {  	s22 =	simm.s32 $0x1BFF;
	s21 =	sshll.u32 s5, $0x1;
	s2 =	sadd.s32 s19, s18  }
0x9c: {  	s6 =	simm.s32 $0x0;
	s20 =	sshll.u32 s4, $0x1;
	s4 =	sadd.s32 s21, s2  }
0x9d: {  	[timem:s6], [sflag:s22] =	dma.local [hbm:s4], s20  }
0x9e: {  	_ =	swait.ge [sflag:s22], s20  }
0x9f: {  	s3 =	ssub.s32 $0x0, s20;
	[sflag:s22] =	ssyncset.done $0x0  }
0xa0: {  	[sflag:s22] =	ssyncadd.s32 s3;
	_ =	sdelay $0x1  }
0xa1: {  	s23 =	simm.s32 $0x1B8B  }
0xa2: {  	_ =	swait.ge [sflag:s23], $0x1  }
0xa3: {  	[sflag:s23] =	ssyncset.done $0x0  }
0xa4: {  	s25 =	simm.s32 $0x1B8E;
	s24 =	sld [smem:$0x3FFE];
	[sflag:s23] =	ssyncadd.s32 $0xFFFFFFFF  }
0xa5: {  	s26 =	simm.s32 $execute0_lowered;
	[smem:$0x3FD2] =	sst s25  }
0xa6: {  	s4 =	sshll.u32 s26, $0x1;
	_ =	strace $0x80000046;
	[dreg:$0x1] =	wrdreg $0xFFFFFFFF  }
0xa7: {  	s28 =	simm.s32 $_size_execute0_lowered;
	s2 =	sadd.s32 s2, s4;
	[dreg:$0x0] =	wrdreg $0x0  }
0xa8: {  	s4 =	sshll.u32 s28, $0x1;
	[dreg:$0x2] =	wrdreg s2  }
0xa9: {  	[dreg:$0x3] =	wrdreg s4  }
0xaa: {  	[dreg:$0x4] =	wrdreg $0xC0  }
0xab: {  	_ =	task [dreg:s6], $0x5FFFF  }
0xac: {  	[dreg:$0x1] =	wrdreg $0xFFFFFFFF  }
0xad: {  	[dreg:$0x0] =	wrdreg $0x60  }
0xae: {  	[dreg:$0x2] =	wrdreg s24  }
0xaf: {  	[dreg:$0x3] =	wrdreg $0x160000  }
0xb0: {  	[dreg:$0x4] =	wrdreg $0x162000  }
0xb1: {  	[dreg:$0x5] =	wrdreg $0x164000  }
0xb2: {  	[dreg:$0x6] =	wrdreg $0x168000  }
0xb3: {  	[dreg:$0x7] =	wrdreg $0x9  }
0xb4: {  	_ =	task.clear_ibuf [dreg:s6], $0x8FFFF;
	_ =	strace $0x90000046  }
0xb5: {  	s29 =	simm.s32 $0x9;
	_ =	strace $0x80000048  }
0xb6: {  	_ =	swait.ge [sflag:s29], $0x1  }
0xb7: {  	[sflag:s29] =	ssyncadd.s32 $0xFFFFFFFF  }
0xb8: {  	_ =	strace $0x90000048  }
0xb9: {  	_ =	sfence  }
0xba: {  	s30 =	sld [smem:$0x0];
	_ =	sdelay $0x2  }
0xbb: {  	s31 =	sshll.u32 s1, $0xD;
	s1 =	sshrl.u32 s1, $0x2  }
0xbc: {  	s3 =	sand.u32 $0x4000, s31;
	s1 =	sadd.s32 s1, s30  }
0xbd: {  	s0 =	sor.u32 s3, s0;
	s1 =	sshll.u32 s1, $0x11  }
0xbe: {  	s0 =	sor.u32 s1, s0  }
0xbf: {  	s0 =	sadd.s32 $0x8F2B, s0  }
0xc0: {  	[sflag:s0] =	ssyncadd.remote.s32 $0x1  }
0xc1: {  	_ =	sfence.sel $0xFFFF  }
0xc2: {  	[dreg:$0x0] =	wrdreg $0xFFFFFFFF;
	(pc) =	sbr.abs _section_cstart, $3  }
0xc3: {  	[dreg:$0x1] =	wrdreg $0xFFFFFFFF  }
0xc4: {  	_ =	task.clear_ibuf [dreg:s6], $0x2FFFF;
	_ =	strace $0x9FFFFFFF  }
0xc5: {  	(tm) =	ssettm $0x7FFFFFFF  }
tec
execute0_lowered:
.L_overlay_start_1:
0x0: {  	(tag) =	ssettag $0x1  }
0x1: {  	s7 =	rddreg [dreg:$0x0]  }
0x2: {  	s1 =	rddreg [dreg:$0x1]  }
0x3: {  	s2 =	rddreg [dreg:$0x2]  }
0x4: {  	s3 =	rddreg [dreg:$0x3]  }
0x5: {  	s4 =	rddreg [dreg:$0x4]  }
0x6: {  	s0 =	rddreg [dreg:$0x5];
	s6 =	simm.s32 $0x0;
	s5 =	stileid.u32  }
0x7: {  	s8 =	srdreg.scid;
	s20 =	simm.s32 $0x4000;
	s21 =	simm.s32 $0x8000  }
0x8: {  	s23 =	simm.s32 $0xE000;
	s24 =	simm.s32 $0x0;
	[smem:$0x7FF] =	sst s6  }
0x9: {  	s9 =	sshll.u32 s5, $0x6;
	s8 =	sand.u32 $0x1, s8;
	s10 =	sshll.u32 s5, $0x1  }
0xa: {  	s11 =	sshll.u32 s5, $0x7;
	s31 =	sshll.u32 s5, $0x9;
	s14 =	sshll.u32 s5, $0xA  }
0xb: {  	_ =	strace $0x80000047;
	s9 =	sadd.s32 s9, s7;
	s16 =	sor.u32 s8, s10  }
0xc: {  	s13 =	sadd.s32 s11, s7;
	s8 =	ssub.s32 $0x2, s8;
	s12 =	sadd.s32 s14, s3  }
0xd: {  	s14 =	sadd.s32 s14, s4;
	s10 =	sshll.u32 s16, $0xA;
	s29 =	sshll.u32 s16, $0xC  }
0xe: {  	s30 =	sshrl.u32 s8, $0x1;
	s11 =	sadd.s32 $0x2E00, s13;
	s13 =	sadd.s32 $0x3A00, s13  }
0xf: {  	v0 =	vlaneseq.u32;
	s19 =	sshll.u32 s16, $0x4;
	s22 =	sshll.u32 s16, $0x5;
	s15 =	sadd.s32 s10, s7  }
0x10: {  	v1 =	vmul.u32 $0x201, v0;
	v4 =	vmul.u32 $0x401, v0;
	s17 =	sadd.s32 s29, s7;
	s18 =	ssub.s32 s8, s30;
	s7 =	sadd.s32 $0x3600, s9  }
0x11: {  	v5 =	vimm.f32 $0.0e+00;
	s8 =	sadd.s32 s31, s1;
	s9 =	sadd.s32 $0x4200, s9;
	s10 =	sadd.s32 s31, s2;
	v0 =	vmov s19  }
0x12: {  	v1 =	vor.u32 s19, v1;
	v3 =	vor.u32 s22, v4;
	v4 =	vadd.s32 $0x4010, v4;
	s19 =	simm.s32 $0x2000;
	s15 =	sadd.s32 $0x24600, s15;
	s16 =	sadd.s32 $0x4600, s17  }
0x13: {  	v6 =	vimm.f32 $1.000000000e+00;
	v2 =	vmov s22;
	s17 =	smax.u32 s18, $0x1;
	s18 =	simm.s32 $0x1;
	v4 =	vor.u32 s22, v4;
	s22 =	simm.s32 $0xC000  }
.LBB2_1:
0x14: {  	[tilespmem:s6], [sflag:$0x1] =	stream.linear.gather [hbm4b:s7+s6], $0x200, $0x38;
	[tilespmem:$0x16C00] =	vst v63  }
0x15: {  	_ =	swait.ge [sflag:s18], $0x200  }
0x16: {  	[sflag:s18] =	ssyncset.done $0x0  }
0x17: {  	[sflag:s18] =	ssyncadd.s32 $0xFFFFFE00  }
0x18: {  	[spmem:s8] =	stream.linear.scatter [tilespmem:s6], [sflag:$0x1], $0x200, $0x38;
	[tilespmem:$0x16C00] =	vst v63  }
0x19: {  	_ =	swait.ge [sflag:s18], $0x200  }
0x1a: {  	[sflag:s18] =	ssyncset.done $0x0  }
0x1b: {  	[sflag:s18] =	ssyncadd.s32 $0xFFFFFE00  }
0x1c: {  	[tilespmem:s19], [sflag:$0x1] =	stream.linear.gather [hbm4b:s9+s6], $0x200, $0x38;
	[tilespmem:$0x16C00] =	vst v63  }
0x1d: {  	_ =	swait.ge [sflag:s18], $0x200  }
0x1e: {  	[sflag:s18] =	ssyncset.done $0x0  }
0x1f: {  	[sflag:s18] =	ssyncadd.s32 $0xFFFFFE00  }
0x20: {  	[spmem:s10] =	stream.linear.scatter [tilespmem:s19], [sflag:$0x1], $0x200, $0x38;
	[tilespmem:$0x16C00] =	vst v63  }
0x21: {  	_ =	swait.ge [sflag:s18], $0x200  }
0x22: {  	[sflag:s18] =	ssyncset.done $0x0  }
0x23: {  	[sflag:s18] =	ssyncadd.s32 $0xFFFFFE00  }
0x24: {  	[tilespmem:s20], [sflag:$0x1] =	stream.linear.gather [hbm4b:s11+s6], $0x400, $0x38;
	[tilespmem:$0x16C00] =	vst v63  }
0x25: {  	_ =	swait.ge [sflag:s18], $0x400  }
0x26: {  	[sflag:s18] =	ssyncset.done $0x0  }
0x27: {  	[sflag:s18] =	ssyncadd.s32 $0xFFFFFC00  }
0x28: {  	[spmem:s12] =	stream.linear.scatter [tilespmem:s20], [sflag:$0x1], $0x400, $0x38;
	[tilespmem:$0x16C00] =	vst v63  }
0x29: {  	_ =	swait.ge [sflag:s18], $0x400  }
0x2a: {  	[sflag:s18] =	ssyncset.done $0x0  }
0x2b: {  	[sflag:s18] =	ssyncadd.s32 $0xFFFFFC00  }
0x2c: {  	[tilespmem:s21], [sflag:$0x1] =	stream.linear.gather [hbm4b:s13+s6], $0x400, $0x38;
	[tilespmem:$0x16C00] =	vst v63  }
0x2d: {  	_ =	swait.ge [sflag:s18], $0x400  }
0x2e: {  	[sflag:s18] =	ssyncset.done $0x0  }
0x2f: {  	[sflag:s18] =	ssyncadd.s32 $0xFFFFFC00  }
0x30: {  	[spmem:s14] =	stream.linear.scatter [tilespmem:s21], [sflag:$0x1], $0x400, $0x38;
	[tilespmem:$0x16C00] =	vst v63  }
0x31: {  	_ =	swait.ge [sflag:s18], $0x400  }
0x32: {  	[sflag:s18] =	ssyncset.done $0x0  }
0x33: {  	[sflag:s18] =	ssyncadd.s32 $0xFFFFFC00  }
0x34: {  	[bflag:$0x0] =	sbarrier.arrive $0xFFFF  }
0x35: {  	[tilespmem:s6], [sflag:$0x1] =	stream.linear.gather [spmem:s1], $0x2000, $0x38;
	[tilespmem:$0x16C00] =	vst v63  }
0x36: {  	_ =	swait.ge [sflag:s18], $0x2000  }
0x37: {  	[sflag:s18] =	ssyncset.done $0x0  }
0x38: {  	[sflag:s18] =	ssyncadd.s32 $0xFFFFE000  }
0x39: {  	[tilespmem:s19], [sflag:$0x1] =	stream.linear.gather [spmem:s2], $0x2000, $0x38;
	[tilespmem:$0x16C00] =	vst v63  }
0x3a: {  	_ =	swait.ge [sflag:s18], $0x2000  }
0x3b: {  	[sflag:s18] =	ssyncset.done $0x0  }
0x3c: {  	s25 =	simm.s32 $0xC040;
	[sflag:s18] =	ssyncadd.s32 $0xFFFFE000  }
0x3d: {  	[tilespmem:s25+$0xFFFFFFC0] =	vst v5  }
0x3e: {  	[tilespmem:s25+$0x30] =	vst v5  }
0x3f: {  	[tilespmem:s25+$0x20] =	vst v5  }
0x40: {  	[tilespmem:s25+$0x10] =	vst v5  }
0x41: {  	[tilespmem:s25+$0x0] =	vst v5  }
0x42: {  	[tilespmem:s25+$0xFFFFFFF0] =	vst v5  }
0x43: {  	s26 =	simm.s32 $0x0;
	[tilespmem:s25+$0xFFFFFFE0] =	vst v5  }
.LBB2_2:
0x44: {  	s26 =	sadd.s32 $0x8, s26;
	[tilespmem:s25+$0xFFFFFFD0] =	vst v5;
	s25 =	sadd.s32 $0x80, s25  }
0x45: {  	[tilespmem:s25+$0xFFFFFFC0] =	vst v5;
	p0 =	slt.u32 s26, $0x1F8  }
0x46: {  	[tilespmem:s25+$0x30] =	vst v5  }
.Ltmp0:
0x47: {  	[tilespmem:s25+$0x20] =	vst v5;
	(pc) =	sbr.rel @p0 .LBB2_2-.Ltmp0, $4  }
0x48: {  	[tilespmem:s25+$0x10] =	vst v5  }
0x49: {  	[tilespmem:s25+$0x0] =	vst v5  }
0x4a: {  	[tilespmem:s25+$0xFFFFFFF0] =	vst v5  }
0x4b: {  	[tilespmem:s25+$0xFFFFFFE0] =	vst v5  }
0x4c: {  	_ =	sdelay $0x2  }
0x4d: {  	[tilespmem:s25+$0xFFFFFFD0] =	vst v5  }
0x4e: {  	s25 =	simm.s32 $0xFFFFFFFC;
	s26 =	simm.s32 $0x2020;
	s28 =	simm.s32 $0x20;
	[tilespmem:v1+s22+$0x0] =	vst.idx.msk $0xffff, v6  }
.LBB2_4:
0x4f: {  	v7 =	vld [tilespmem:s26+$0xFFFFFFE0];
	_ =	sdelay $0x1  }
0x50: {  	v8 =	vld [tilespmem:s28+$0xFFFFFFE0];
	_ =	sdelay $0x2  }
0x51: {  	v7 =	vsub.s32 v7, v0  }
0x52: {  	v9 =	vshll.u32 v7, $0x9  }
0x53: {  	vm0 =	vlt.u32 v7, $0x10;
	v7 =	vadd.s32 v8, v9  }
0x54: {  	v7 =	vnsel vm0, $0x0, v7;
	_ =	sdelay $0x4  }
0x55: {  	[tilespmem:v7+s22+$0x0] =	vst.idx.add.f32.msk vm0, v6  }
0x56: {  	v7 =	vld [tilespmem:s26+$0xFFFFFFF0];
	_ =	sdelay $0x1  }
0x57: {  	v8 =	vld [tilespmem:s28+$0xFFFFFFF0];
	_ =	sdelay $0x2  }
0x58: {  	v7 =	vsub.s32 v7, v0  }
0x59: {  	v61 =	vshll.u32 v7, $0x9  }
0x5a: {  	vm13 =	vlt.u32 v7, $0x10;
	v7 =	vadd.s32 v8, v61  }
0x5b: {  	v7 =	vnsel vm13, $0x0, v7;
	_ =	sdelay $0x4  }
0x5c: {  	[tilespmem:v7+s22+$0x0] =	vst.idx.add.f32.msk vm13, v6  }
0x5d: {  	v7 =	vld [tilespmem:s26+$0x0];
	_ =	sdelay $0x1  }
0x5e: {  	v8 =	vld [tilespmem:s28+$0x0];
	_ =	sdelay $0x2  }
0x5f: {  	v7 =	vsub.s32 v7, v0  }
0x60: {  	v62 =	vshll.u32 v7, $0x9  }
0x61: {  	vm14 =	vlt.u32 v7, $0x10;
	v7 =	vadd.s32 v8, v62  }
0x62: {  	v7 =	vnsel vm14, $0x0, v7;
	_ =	sdelay $0x4  }
0x63: {  	[tilespmem:v7+s22+$0x0] =	vst.idx.add.f32.msk vm14, v6  }
0x64: {  	v7 =	vld [tilespmem:s26+$0x10];
	_ =	sdelay $0x1  }
0x65: {  	v8 =	vld [tilespmem:s28+$0x10];
	_ =	sdelay $0x2  }
0x66: {  	v7 =	vsub.s32 v7, v0  }
0x67: {  	v63 =	vshll.u32 v7, $0x9  }
0x68: {  	s25 =	sadd.s32 $0x4, s25;
	vm15 =	vlt.u32 v7, $0x10;
	v7 =	vadd.s32 v8, v63  }
0x69: {  	p0 =	slt.u32 s25, $0x1FC;
	v7 =	vnsel vm15, $0x0, v7  }
.Ltmp1:
0x6a: {  	_ = 	snop;
	(pc) =	sbr.rel @p0 .LBB2_4-.Ltmp1, $2  }
0x6b: {  	_ =	sdelay $0x2  }
0x6c: {  	s26 =	sadd.s32 $0x40, s26;
	s28 =	sadd.s32 $0x40, s28;
	[tilespmem:v7+s22+$0x0] =	vst.idx.add.f32.msk vm15, v6  }
0x6d: {  	[hbm4b:s15+s6] =	stream.linear.scatter [tilespmem:s22], [sflag:$0x1], $0x2000, $0x38;
	[tilespmem:$0x16C00] =	vst v63  }
0x6e: {  	_ =	swait.ge [sflag:s18], $0x2000  }
0x6f: {  	[sflag:s18] =	ssyncset.done $0x0  }
0x70: {  	[sflag:s18] =	ssyncadd.s32 $0xFFFFE000  }
0x71: {  	[tilespmem:s20], [sflag:$0x1] =	stream.linear.gather [spmem:s3], $0x4000, $0x38;
	[tilespmem:$0x16C00] =	vst v63  }
0x72: {  	_ =	swait.ge [sflag:s18], $0x4000  }
0x73: {  	[sflag:s18] =	ssyncset.done $0x0  }
0x74: {  	[sflag:s18] =	ssyncadd.s32 $0xFFFFC000  }
0x75: {  	[tilespmem:s21], [sflag:$0x1] =	stream.linear.gather [spmem:s4], $0x4000, $0x38;
	[tilespmem:$0x16C00] =	vst v63  }
0x76: {  	_ =	swait.ge [sflag:s18], $0x4000  }
0x77: {  	[sflag:s18] =	ssyncset.done $0x0  }
0x78: {  	s25 =	simm.s32 $0xE040;
	[sflag:s18] =	ssyncadd.s32 $0xFFFFC000  }
0x79: {  	[tilespmem:s25+$0xFFFFFFC0] =	vst v5  }
0x7a: {  	[tilespmem:s25+$0x30] =	vst v5  }
0x7b: {  	[tilespmem:s25+$0x20] =	vst v5  }
0x7c: {  	[tilespmem:s25+$0x10] =	vst v5  }
0x7d: {  	[tilespmem:s25+$0x0] =	vst v5  }
0x7e: {  	[tilespmem:s25+$0xFFFFFFF0] =	vst v5  }
0x7f: {  	s26 =	simm.s32 $0x0;
	[tilespmem:s25+$0xFFFFFFE0] =	vst v5  }
.LBB2_6:
0x80: {  	s26 =	sadd.s32 $0x8, s26;
	[tilespmem:s25+$0xFFFFFFD0] =	vst v5;
	s25 =	sadd.s32 $0x80, s25  }
0x81: {  	[tilespmem:s25+$0xFFFFFFC0] =	vst v5;
	p0 =	slt.u32 s26, $0x7F8  }
0x82: {  	[tilespmem:s25+$0x30] =	vst v5  }
.Ltmp2:
0x83: {  	[tilespmem:s25+$0x20] =	vst v5;
	(pc) =	sbr.rel @p0 .LBB2_6-.Ltmp2, $4  }
0x84: {  	[tilespmem:s25+$0x10] =	vst v5  }
0x85: {  	[tilespmem:s25+$0x0] =	vst v5  }
0x86: {  	[tilespmem:s25+$0xFFFFFFF0] =	vst v5  }
0x87: {  	[tilespmem:s25+$0xFFFFFFE0] =	vst v5  }
0x88: {  	_ =	sdelay $0x2  }
0x89: {  	[tilespmem:s25+$0xFFFFFFD0] =	vst v5  }
0x8a: {  	[tilespmem:v3+s23+$0x0] =	vst.idx.msk $0xffff, v6  }
0x8b: {  	s25 =	simm.s32 $0xFFFFFFFC;
	s26 =	simm.s32 $0x8020;
	s28 =	simm.s32 $0x4020;
	[tilespmem:v4+s23+$0x0] =	vst.idx.msk $0xffff, v6  }
.LBB2_8:
0x8c: {  	v7 =	vld [tilespmem:s26+$0xFFFFFFE0];
	_ =	sdelay $0x1  }
0x8d: {  	v8 =	vld [tilespmem:s28+$0xFFFFFFE0];
	_ =	sdelay $0x2  }
0x8e: {  	v7 =	vsub.s32 v7, v2  }
0x8f: {  	v9 =	vshll.u32 v7, $0xA  }
0x90: {  	vm0 =	vlt.u32 v7, $0x20;
	v7 =	vadd.s32 v8, v9  }
0x91: {  	v7 =	vnsel vm0, $0x0, v7;
	_ =	sdelay $0x4  }
0x92: {  	[tilespmem:v7+s23+$0x0] =	vst.idx.add.f32.msk vm0, v6  }
0x93: {  	v7 =	vld [tilespmem:s26+$0xFFFFFFF0];
	_ =	sdelay $0x1  }
0x94: {  	v8 =	vld [tilespmem:s28+$0xFFFFFFF0];
	_ =	sdelay $0x2  }
0x95: {  	v7 =	vsub.s32 v7, v2  }
0x96: {  	v61 =	vshll.u32 v7, $0xA  }
0x97: {  	vm13 =	vlt.u32 v7, $0x20;
	v7 =	vadd.s32 v8, v61  }
0x98: {  	v7 =	vnsel vm13, $0x0, v7;
	_ =	sdelay $0x4  }
0x99: {  	[tilespmem:v7+s23+$0x0] =	vst.idx.add.f32.msk vm13, v6  }
0x9a: {  	v7 =	vld [tilespmem:s26+$0x0];
	_ =	sdelay $0x1  }
0x9b: {  	v8 =	vld [tilespmem:s28+$0x0];
	_ =	sdelay $0x2  }
0x9c: {  	v7 =	vsub.s32 v7, v2  }
0x9d: {  	v62 =	vshll.u32 v7, $0xA  }
0x9e: {  	vm14 =	vlt.u32 v7, $0x20;
	v7 =	vadd.s32 v8, v62  }
0x9f: {  	v7 =	vnsel vm14, $0x0, v7;
	_ =	sdelay $0x4  }
0xa0: {  	[tilespmem:v7+s23+$0x0] =	vst.idx.add.f32.msk vm14, v6  }
0xa1: {  	v7 =	vld [tilespmem:s26+$0x10];
	_ =	sdelay $0x1  }
0xa2: {  	v8 =	vld [tilespmem:s28+$0x10];
	_ =	sdelay $0x2  }
0xa3: {  	v7 =	vsub.s32 v7, v2  }
0xa4: {  	v63 =	vshll.u32 v7, $0xA  }
0xa5: {  	s25 =	sadd.s32 $0x4, s25;
	vm15 =	vlt.u32 v7, $0x20;
	v7 =	vadd.s32 v8, v63  }
0xa6: {  	p0 =	slt.u32 s25, $0x3FC;
	v7 =	vnsel vm15, $0x0, v7  }
.Ltmp3:
0xa7: {  	_ = 	snop;
	(pc) =	sbr.rel @p0 .LBB2_8-.Ltmp3, $2  }
0xa8: {  	_ =	sdelay $0x2  }
0xa9: {  	s26 =	sadd.s32 $0x40, s26;
	s28 =	sadd.s32 $0x40, s28;
	[tilespmem:v7+s23+$0x0] =	vst.idx.add.f32.msk vm15, v6  }
0xaa: {  	s24 =	sadd.s32 $0x1, s24  }
0xab: {  	p0 =	sne.s32 s24, s17  }
.Ltmp4:
0xac: {  	_ = 	snop;
	(pc) =	sbr.rel @p0 .LBB2_1-.Ltmp4, $4  }
0xad: {  	[hbm4b:s16+s6] =	stream.linear.scatter [tilespmem:s23], [sflag:$0x1], $0x8000, $0x38;
	[tilespmem:$0x16C00] =	vst v63  }
0xae: {  	_ =	swait.ge [sflag:s18], $0x8000  }
0xaf: {  	[sflag:s18] =	ssyncset.done $0x0  }
0xb0: {  	[sflag:s18] =	ssyncadd.s32 $0xFFFF8000  }
0xb1: {  	_ =	sfence.sel $0x180000  }
0xb2: {  	[bflag:$0x0] =	sbarrier.arrive $0xFFFF  }
0xb3: {  	p0 =	sne.s32 s5, $0x0;
	_ =	strace $0x90000047  }
0xb4: {  	s0 =	sadd.s32 @!p0 $0x100000, s0;
	[bflag:$0x2] =	sbarrier.arrive $0xFFFF  }
0xb5: {  	[sflag:s0] =	ssyncadd.tile.s32 @!p0 $0x1;
	_ =	shalt  }
.Lfunc_end2:
_tile_overlayer_lowered:
.L_overlay_start_2:
0xb6: {  	(tag) =	ssettag $0x2  }
0xb7: {  	s0 =	rddreg [dreg:$0x0];
	s2 =	stileid.u32  }
0xb8: {  	s1 =	rddreg [dreg:$0x1];
	p0 =	sne.s32 s2, $0x0  }
0xb9: {  	s3 =	rddreg [dreg:$0x2];
	[bflag:$0x3] =	sbarrier.arrive $0xFFFF;
	s2 =	simm.s32 @!p0 $0x1C01  }
0xba: {  	[timem:s3], [sflag:s2] =	dma.local @!p0 [hbm:s0], s1  }
0xbb: {  	s0 =	simm.s32 @!p0 $0x1  }
0xbc: {  	_ =	swait.ge @!p0 [sflag:s0], s1  }
0xbd: {  	s1 =	ssub.s32 @!p0 $0x0, s1;
	[sflag:s0] =	ssyncset.done @!p0 $0x0  }
0xbe: {  	[sflag:s0] =	ssyncadd.s32 @!p0 s1  }
0xbf: {  	[bflag:$0x3] =	sbarrier.arrive $0xFFFF  }
0xc0: {  	_ =	shalt  }

</sc_bundles>
